<compile_context>
chip_gen: v7x
topology: tpu7x:2x2x1
jax: 0.10.2.dev20260603
libtpu: 0.0.44.dev20260713+nightly
codegen_flags: <defaults>
</compile_context>

<pallas_src>
import functools

import jax
import jax.numpy as jnp
from jax import lax
from jax.experimental import pallas as pl
from jax.experimental.pallas import tpu as pltpu
from jax.experimental.pallas import tpu_sc as plsc

NC = 2
NS = 16
NW = NC * NS
CH = 128


def _deg_kernel(n_pad, cpt):
  zslice = n_pad // NS
  mesh = plsc.VectorSubcoreMesh(core_axis_name="c", subcore_axis_name="s")

  @functools.partial(
      pl.kernel,
      out_type=jax.ShapeDtypeStruct((NC * 2 * n_pad,), jnp.float32),
      mesh=mesh,
      scratch_types=[
          pltpu.VMEM((zslice,), jnp.float32),
          pltpu.VMEM((CH,), jnp.float32),
          pltpu.VMEM((cpt * CH,), jnp.int32),
          pltpu.VMEM((cpt * CH,), jnp.int32),
          pltpu.VMEM_SHARED((n_pad,), jnp.float32),
          pltpu.VMEM_SHARED((n_pad,), jnp.float32),
          pltpu.SemaphoreType.DMA,
          pltpu.SemaphoreType.DMA,
      ],
  )
  def k(src_hbm, dst_hbm, ones_hbm, z_hbm, out_hbm, zbuf, ones_v, sidx,
        didx, hist_o, hist_i, osem, isem):
    c = lax.axis_index("c")
    s = lax.axis_index("s")
    wid = s * NC + c
    ebase = wid * cpt * CH

    pltpu.sync_copy(z_hbm, zbuf)
    pltpu.sync_copy(zbuf, hist_o.at[pl.ds(s * zslice, zslice)])
    pltpu.sync_copy(zbuf, hist_i.at[pl.ds(s * zslice, zslice)])
    pltpu.sync_copy(ones_hbm, ones_v)
    pltpu.sync_copy(src_hbm.at[pl.ds(ebase, cpt * CH)], sidx)
    pltpu.sync_copy(dst_hbm.at[pl.ds(ebase, cpt * CH)], didx)
    plsc.subcore_barrier()

    @pl.loop(0, cpt)
    def _(j):
      so = pltpu.async_copy(ones_v, hist_o.at[sidx.at[pl.ds(j * CH, CH)]],
                            osem, add=True)
      si = pltpu.async_copy(ones_v, hist_i.at[didx.at[pl.ds(j * CH, CH)]],
                            isem, add=True)
      so.wait()
      si.wait()

    plsc.subcore_barrier()

    pltpu.sync_copy(hist_o.at[pl.ds(s * zslice, zslice)], zbuf)
    pltpu.sync_copy(zbuf, out_hbm.at[pl.ds((c * 2) * n_pad + s * zslice,
                                           zslice)])
    pltpu.sync_copy(hist_i.at[pl.ds(s * zslice, zslice)], zbuf)
    pltpu.sync_copy(zbuf, out_hbm.at[pl.ds((c * 2 + 1) * n_pad + s * zslice,
                                           zslice)])

  return k


def _agg_kernel(n_pad, d, cpt0, cpt1):
  zrows = n_pad // NS
  mesh = plsc.VectorSubcoreMesh(core_axis_name="c", subcore_axis_name="s")

  @functools.partial(
      pl.kernel,
      out_type=jax.ShapeDtypeStruct((NC * n_pad, d), jnp.float32),
      mesh=mesh,
      scratch_types=[
          [pltpu.VMEM((CH,), jnp.int32) for _ in range(4)],
          [pltpu.VMEM((CH,), jnp.int32) for _ in range(4)],
          [pltpu.VMEM((CH, d), jnp.float32) for _ in range(2)],
          pltpu.VMEM_SHARED((n_pad, d), jnp.float32),
          pltpu.SemaphoreType.DMA,
          [pltpu.SemaphoreType.DMA for _ in range(2)],
      ],
  )
  def k(h_hbm, src_hbm, dst_hbm, z_hbm, out_hbm, sidx, didx, rows, acc,
        lsem, gsem):
    c = lax.axis_index("c")
    s = lax.axis_index("s")
    cptc = jnp.where(c == 0, cpt0, cpt1)
    cbase = jnp.where(c == 0, s * cpt0, NS * cpt0 + s * cpt1)

    pltpu.sync_copy(z_hbm, rows[0])
    for r in range(zrows // CH):
      pltpu.sync_copy(rows[0], acc.at[pl.ds(s * zrows + r * CH, CH)])

    def load_idx(j, a, b):
      lds = []
      for i, q in enumerate(range(a, b + 1)):
        off = (cbase + j + i) * CH
        lds.append(pltpu.async_copy(src_hbm.at[pl.ds(off, CH)], sidx[q],
                                    lsem))
        lds.append(pltpu.async_copy(dst_hbm.at[pl.ds(off, CH)], didx[q],
                                    lsem))
      return lds

    for d_ in load_idx(0, 0, 1):
      d_.wait()
    plsc.subcore_barrier()

    @pl.loop(0, cptc // 4)
    def _(g):
      j = g * 4
      for ph in range(2):
        q0, q1 = (0, 1) if ph == 0 else (2, 3)
        n0, n1 = (2, 3) if ph == 0 else (0, 1)
        g0 = pltpu.async_copy(h_hbm.at[sidx[q0]], rows[0], gsem[0])
        g1 = pltpu.async_copy(h_hbm.at[sidx[q1]], rows[1], gsem[1])
        lds = load_idx(j + 2 * ph + 2, n0, n1)
        for d_ in lds:
          d_.wait()
        g0.wait()
        g1.wait()
        pltpu.sync_copy(rows[0], acc.at[didx[q0]], add=True)
        pltpu.sync_copy(rows[1], acc.at[didx[q1]], add=True)

    plsc.subcore_barrier()

    for r in range(zrows // CH):
      roff = s * zrows + r * CH
      pltpu.sync_copy(acc.at[pl.ds(roff, CH)], rows[0])
      pltpu.sync_copy(rows[0], out_hbm.at[pl.ds(c * n_pad + roff, CH)])

  return k


def _norms_body(degs_ref, out_ref):
  dego = degs_ref[0, 0] + degs_ref[1, 0]
  degi = degs_ref[0, 1] + degs_ref[1, 1]
  out_ref[0] = lax.rsqrt(jnp.maximum(dego, 1.0))
  out_ref[1] = lax.rsqrt(jnp.maximum(degi, 1.0))


def _scale_body(y_ref, ns_ref, h_ref):
  h_ref[...] = y_ref[...] * ns_ref[...]


def _final_body(acc_ref, w_ref, nd_ref, b_ref, out_ref, *, n, n_pad):
  agg = acc_ref[0:n] + acc_ref[n_pad:n_pad + n]
  y = jnp.dot(agg, w_ref[...], preferred_element_type=jnp.float32)
  y = y * nd_ref[...] + b_ref[...]
  m = jnp.max(y, axis=1, keepdims=True)
  e = jnp.exp(y - m)
  out_ref[...] = e / jnp.sum(e, axis=1, keepdims=True)


def kernel(x, edge_index, W, b):
  n, d = x.shape
  e = edge_index.shape[1]
  n_pad = ((n + 1 + NS * CH - 1) // (NS * CH)) * (NS * CH)
  cpt = 2 * -(-e // (NW * CH * 2))
  e_pad = NW * CH * cpt

  cpt0, cpt1 = cpt, cpt
  assert cpt0 % 4 == 0 and cpt1 % 4 == 0 and cpt0 + cpt1 == 2 * cpt

  src = edge_index[0].astype(jnp.int32)
  dst = edge_index[1].astype(jnp.int32)
  pad = e_pad - e + 2 * CH
  if pad:
    padv = n + jnp.arange(pad, dtype=jnp.int32) % (n_pad - n)
    src = jnp.concatenate([src, padv])
    dst = jnp.concatenate([dst, padv])

  ones_e = jnp.ones((CH,), jnp.float32)
  z1 = jnp.zeros((n_pad // NS,), jnp.float32)
  z2 = jnp.zeros((CH, d), jnp.float32)

  degs = _deg_kernel(n_pad, cpt)(src, dst, ones_e, z1)
  x_pad = jnp.concatenate([x, jnp.zeros((n_pad - n, d), jnp.float32)])

  degs4 = degs.reshape(NC, 2, n_pad // d, d)
  norms = pl.pallas_call(
      _norms_body,
      out_shape=jax.ShapeDtypeStruct((2, n_pad // d, d), jnp.float32))(degs4)
  ns_col = norms[0].reshape(-1)[:, None]
  nd_col = norms[1].reshape(-1)[:n][:, None]

  h = pl.pallas_call(
      _scale_body,
      out_shape=jax.ShapeDtypeStruct((n_pad, d), jnp.float32))(x_pad, ns_col)

  acc = _agg_kernel(n_pad, d, cpt0, cpt1)(h, src, dst, z2)

  out = pl.pallas_call(
      functools.partial(_final_body, n=n, n_pad=n_pad),
      out_shape=jax.ShapeDtypeStruct((n, d), jnp.float32))(
          acc, W, nd_col, b.reshape(1, d))
  return out

# --- scband reference (transcript-rebuilt; emitter-appended) ---
"""Pipeline reference for scband-cls-74818330296986 (READ-ONLY COPY).

The authoritative reference and input builder live on the scoring server;
editing this copy changes nothing except your own understanding.
"""

import jax, jax.numpy as jnp
import numpy as np

N = 10000
E = 320000
D_IN = 128
D_OUT = 128


def setup_inputs(seed: int = 0) -> dict:
    key = jax.random.key(seed)
    k1, k2, k3 = jax.random.split(key, 3)
    x = jax.random.normal(k1, (N, D_IN), dtype=jnp.float32)
    edge_index = jax.random.randint(k2, (2, E), 0, N)
    # DGL GraphConv weight: xavier_uniform (reset_parameters uses gain=1.0)
    limit = float(np.sqrt(6.0 / (D_IN + D_OUT)))
    W = jax.random.uniform(k3, (D_IN, D_OUT), minval=-limit, maxval=limit, dtype=jnp.float32)
    b = jnp.zeros((D_OUT,), dtype=jnp.float32)
    return {"x": x, "edge_index": edge_index, "W": W, "b": b}


def reference(x, edge_index, W, b):
    # DGL GraphConv with norm='both': h = D_in^{-1/2} A D_out^{-1/2} x W + b
    # Since in_feats == out_feats, DGL aggregates first, then applies the weight.
    src = edge_index[0]
    dst = edge_index[1]
    ones = jnp.ones((E,), dtype=jnp.float32)
    deg_out = jax.ops.segment_sum(ones, src, num_segments=N)
    deg_in = jax.ops.segment_sum(ones, dst, num_segments=N)
    norm_src = jnp.power(jnp.clip(deg_out, 1.0, None), -0.5)
    norm_dst = jnp.power(jnp.clip(deg_in, 1.0, None), -0.5)
    h = x * norm_src[:, None]
    m = jnp.take(h, src, axis=0)            # gather messages along edges
    agg = jax.ops.segment_sum(m, dst, num_segments=N)  # scatter-add to dst nodes
    h = agg @ W
    h = h * norm_dst[:, None]
    h = h + b
    return jax.nn.softmax(h, axis=1)

if __name__ == "__main__":
    import jax
    _d = setup_inputs()
    print(jax.jit(kernel)(*tuple(_d.values())))

</pallas_src>

<mosaic_0001>
#map = affine_map<(d0, d1) -> (0, 0)>
#map1 = affine_map<(d0, d1) -> (0)>
module attributes {stable_mosaic.version = 14 : i64} {
  func.func @k(%arg0: i32, %arg1: i32, %arg2: memref<10240x128xf32, #tpu.memory_space<hbm>>, %arg3: memref<327936xi32, #tpu.memory_space<hbm>>, %arg4: memref<327936xi32, #tpu.memory_space<hbm>>, %arg5: memref<128x128xf32, #tpu.memory_space<hbm>>, %arg6: memref<20480x128xf32, #tpu.memory_space<hbm>>, %arg7: memref<128xi32, #tpu.memory_space<vmem>>, %arg8: memref<128xi32, #tpu.memory_space<vmem>>, %arg9: memref<128xi32, #tpu.memory_space<vmem>>, %arg10: memref<128xi32, #tpu.memory_space<vmem>>, %arg11: memref<128xi32, #tpu.memory_space<vmem>>, %arg12: memref<128xi32, #tpu.memory_space<vmem>>, %arg13: memref<128xi32, #tpu.memory_space<vmem>>, %arg14: memref<128xi32, #tpu.memory_space<vmem>>, %arg15: memref<128x128xf32, #tpu.memory_space<vmem>>, %arg16: memref<128x128xf32, #tpu.memory_space<vmem>>, %arg17: memref<10240x128xf32, #tpu.memory_space<vmem_shared>>, %arg18: memref<!tpu.dma_semaphore, #tpu.memory_space<semaphore_mem>>, %arg19: memref<!tpu.dma_semaphore, #tpu.memory_space<semaphore_mem>>, %arg20: memref<!tpu.dma_semaphore, #tpu.memory_space<semaphore_mem>>) attributes {dimension_semantics = [#tpu.dimension_semantics<core_parallel>, #tpu.dimension_semantics<subcore_parallel>], iteration_bounds = array<i64: 2, 16>, scalar_prefetch = 0 : i64, scratch_operands = 14 : i64, tpu.core_type = #tpu.core_type<sc_vector_subcore>, window_params = [{transform_indices = #map}, {transform_indices = #map1}, {transform_indices = #map1}, {transform_indices = #map}, {transform_indices = #map}]} {
    %eq3A = arith.constant 0 : i32
    %eq3A_0 = arith.cmpi eq, %arg0, %eq3A : i32
    %jit3A = arith.constant 80 : i32
    %jit3A_1 = arith.constant 80 : i32
    %select_n3A = arith.select %eq3A_0, %jit3A, %jit3A_1 : i32
    %eq3A_2 = arith.constant 0 : i32
    %eq3A_3 = arith.cmpi eq, %arg0, %eq3A_2 : i32
    %mul3A = arith.constant 80 : i32
    %mul3A_4 = arith.muli %arg1, %mul3A : i32
    %mul3A_5 = arith.constant 80 : i32
    %mul3A_6 = arith.muli %arg1, %mul3A_5 : i32
    %add3A = arith.constant 1280 : i32
    %add3A_7 = arith.addi %add3A, %mul3A_6 : i32
    %select_n3A_8 = arith.select %eq3A_3, %mul3A_4, %add3A_7 : i32
    "tpu.region"() ({
      %run_scoped3A = tpu.sem_alloc : memref<!tpu.dma_semaphore, #tpu.memory_space<semaphore_mem>>
      tpu.enqueue_dma source(%arg5 : memref<128x128xf32, #tpu.memory_space<hbm>>) target(%arg15 : memref<128x128xf32, #tpu.memory_space<vmem>>) target_semaphore(%run_scoped3A : memref<!tpu.dma_semaphore, #tpu.memory_space<semaphore_mem>>)
      tpu.wait_dma2 semaphore(%run_scoped3A : memref<!tpu.dma_semaphore, #tpu.memory_space<semaphore_mem>>) src(%arg5 : memref<128x128xf32, #tpu.memory_space<hbm>>) dst(%arg15 : memref<128x128xf32, #tpu.memory_space<vmem>>)
      tpu.yield
    }) : () -> ()
    %mul3A_9 = arith.constant 640 : i32
    %mul3A_10 = arith.muli %arg1, %mul3A_9 : i32
    %add3A_11 = arith.constant 0 : i32
    %add3A_12 = arith.addi %mul3A_10, %add3A_11 : i32
    "tpu.region"() ({
      %run_scoped3A = tpu.sem_alloc : memref<!tpu.dma_semaphore, #tpu.memory_space<semaphore_mem>>
      %dma_start3A_127 = arith.constant 0 : i32
      %dma_start3A_128 = tpu.memref_slice %arg17[%add3A_12, %dma_start3A_127] : memref<10240x128xf32, #tpu.memory_space<vmem_shared>> -> memref<128x128xf32, #tpu.memory_space<vmem_shared>>
      %dma_start3A_129 = arith.constant 0 : i32
      %dma_start3A_130 = tpu.memref_slice %arg17[%add3A_12, %dma_start3A_129] : memref<10240x128xf32, #tpu.memory_space<vmem_shared>> -> memref<128x128xf32, #tpu.memory_space<vmem_shared>>
      tpu.enqueue_dma source(%arg15 : memref<128x128xf32, #tpu.memory_space<vmem>>) target(%dma_start3A_130 : memref<128x128xf32, #tpu.memory_space<vmem_shared>>) target_semaphore(%run_scoped3A : memref<!tpu.dma_semaphore, #tpu.memory_space<semaphore_mem>>)
      %dma_wait3A_131 = arith.constant 0 : i32
      %dma_wait3A_132 = tpu.memref_slice %arg17[%add3A_12, %dma_wait3A_131] : memref<10240x128xf32, #tpu.memory_space<vmem_shared>> -> memref<128x128xf32, #tpu.memory_space<vmem_shared>>
      %dma_wait3A_133 = arith.constant 0 : i32
      %dma_wait3A_134 = tpu.memref_slice %arg17[%add3A_12, %dma_wait3A_133] : memref<10240x128xf32, #tpu.memory_space<vmem_shared>> -> memref<128x128xf32, #tpu.memory_space<vmem_shared>>
      tpu.wait_dma2 semaphore(%run_scoped3A : memref<!tpu.dma_semaphore, #tpu.memory_space<semaphore_mem>>) src(%arg15 : memref<128x128xf32, #tpu.memory_space<vmem>>) dst(%dma_wait3A_134 : memref<128x128xf32, #tpu.memory_space<vmem_shared>>)
      tpu.yield
    }) : () -> ()
    %mul3A_13 = arith.constant 640 : i32
    %mul3A_14 = arith.muli %arg1, %mul3A_13 : i32
    %add3A_15 = arith.constant 128 : i32
    %add3A_16 = arith.addi %mul3A_14, %add3A_15 : i32
    "tpu.region"() ({
      %run_scoped3A = tpu.sem_alloc : memref<!tpu.dma_semaphore, #tpu.memory_space<semaphore_mem>>
      %dma_start3A_127 = arith.constant 0 : i32
      %dma_start3A_128 = tpu.memref_slice %arg17[%add3A_16, %dma_start3A_127] : memref<10240x128xf32, #tpu.memory_space<vmem_shared>> -> memref<128x128xf32, #tpu.memory_space<vmem_shared>>
      %dma_start3A_129 = arith.constant 0 : i32
      %dma_start3A_130 = tpu.memref_slice %arg17[%add3A_16, %dma_start3A_129] : memref<10240x128xf32, #tpu.memory_space<vmem_shared>> -> memref<128x128xf32, #tpu.memory_space<vmem_shared>>
      tpu.enqueue_dma source(%arg15 : memref<128x128xf32, #tpu.memory_space<vmem>>) target(%dma_start3A_130 : memref<128x128xf32, #tpu.memory_space<vmem_shared>>) target_semaphore(%run_scoped3A : memref<!tpu.dma_semaphore, #tpu.memory_space<semaphore_mem>>)
      %dma_wait3A_131 = arith.constant 0 : i32
      %dma_wait3A_132 = tpu.memref_slice %arg17[%add3A_16, %dma_wait3A_131] : memref<10240x128xf32, #tpu.memory_space<vmem_shared>> -> memref<128x128xf32, #tpu.memory_space<vmem_shared>>
      %dma_wait3A_133 = arith.constant 0 : i32
      %dma_wait3A_134 = tpu.memref_slice %arg17[%add3A_16, %dma_wait3A_133] : memref<10240x128xf32, #tpu.memory_space<vmem_shared>> -> memref<128x128xf32, #tpu.memory_space<vmem_shared>>
      tpu.wait_dma2 semaphore(%run_scoped3A : memref<!tpu.dma_semaphore, #tpu.memory_space<semaphore_mem>>) src(%arg15 : memref<128x128xf32, #tpu.memory_space<vmem>>) dst(%dma_wait3A_134 : memref<128x128xf32, #tpu.memory_space<vmem_shared>>)
      tpu.yield
    }) : () -> ()
    %mul3A_17 = arith.constant 640 : i32
    %mul3A_18 = arith.muli %arg1, %mul3A_17 : i32
    %add3A_19 = arith.constant 256 : i32
    %add3A_20 = arith.addi %mul3A_18, %add3A_19 : i32
    "tpu.region"() ({
      %run_scoped3A = tpu.sem_alloc : memref<!tpu.dma_semaphore, #tpu.memory_space<semaphore_mem>>
      %dma_start3A_127 = arith.constant 0 : i32
      %dma_start3A_128 = tpu.memref_slice %arg17[%add3A_20, %dma_start3A_127] : memref<10240x128xf32, #tpu.memory_space<vmem_shared>> -> memref<128x128xf32, #tpu.memory_space<vmem_shared>>
      %dma_start3A_129 = arith.constant 0 : i32
      %dma_start3A_130 = tpu.memref_slice %arg17[%add3A_20, %dma_start3A_129] : memref<10240x128xf32, #tpu.memory_space<vmem_shared>> -> memref<128x128xf32, #tpu.memory_space<vmem_shared>>
      tpu.enqueue_dma source(%arg15 : memref<128x128xf32, #tpu.memory_space<vmem>>) target(%dma_start3A_130 : memref<128x128xf32, #tpu.memory_space<vmem_shared>>) target_semaphore(%run_scoped3A : memref<!tpu.dma_semaphore, #tpu.memory_space<semaphore_mem>>)
      %dma_wait3A_131 = arith.constant 0 : i32
      %dma_wait3A_132 = tpu.memref_slice %arg17[%add3A_20, %dma_wait3A_131] : memref<10240x128xf32, #tpu.memory_space<vmem_shared>> -> memref<128x128xf32, #tpu.memory_space<vmem_shared>>
      %dma_wait3A_133 = arith.constant 0 : i32
      %dma_wait3A_134 = tpu.memref_slice %arg17[%add3A_20, %dma_wait3A_133] : memref<10240x128xf32, #tpu.memory_space<vmem_shared>> -> memref<128x128xf32, #tpu.memory_space<vmem_shared>>
      tpu.wait_dma2 semaphore(%run_scoped3A : memref<!tpu.dma_semaphore, #tpu.memory_space<semaphore_mem>>) src(%arg15 : memref<128x128xf32, #tpu.memory_space<vmem>>) dst(%dma_wait3A_134 : memref<128x128xf32, #tpu.memory_space<vmem_shared>>)
      tpu.yield
    }) : () -> ()
    %mul3A_21 = arith.constant 640 : i32
    %mul3A_22 = arith.muli %arg1, %mul3A_21 : i32
    %add3A_23 = arith.constant 384 : i32
    %add3A_24 = arith.addi %mul3A_22, %add3A_23 : i32
    "tpu.region"() ({
      %run_scoped3A = tpu.sem_alloc : memref<!tpu.dma_semaphore, #tpu.memory_space<semaphore_mem>>
      %dma_start3A_127 = arith.constant 0 : i32
      %dma_start3A_128 = tpu.memref_slice %arg17[%add3A_24, %dma_start3A_127] : memref<10240x128xf32, #tpu.memory_space<vmem_shared>> -> memref<128x128xf32, #tpu.memory_space<vmem_shared>>
      %dma_start3A_129 = arith.constant 0 : i32
      %dma_start3A_130 = tpu.memref_slice %arg17[%add3A_24, %dma_start3A_129] : memref<10240x128xf32, #tpu.memory_space<vmem_shared>> -> memref<128x128xf32, #tpu.memory_space<vmem_shared>>
      tpu.enqueue_dma source(%arg15 : memref<128x128xf32, #tpu.memory_space<vmem>>) target(%dma_start3A_130 : memref<128x128xf32, #tpu.memory_space<vmem_shared>>) target_semaphore(%run_scoped3A : memref<!tpu.dma_semaphore, #tpu.memory_space<semaphore_mem>>)
      %dma_wait3A_131 = arith.constant 0 : i32
      %dma_wait3A_132 = tpu.memref_slice %arg17[%add3A_24, %dma_wait3A_131] : memref<10240x128xf32, #tpu.memory_space<vmem_shared>> -> memref<128x128xf32, #tpu.memory_space<vmem_shared>>
      %dma_wait3A_133 = arith.constant 0 : i32
      %dma_wait3A_134 = tpu.memref_slice %arg17[%add3A_24, %dma_wait3A_133] : memref<10240x128xf32, #tpu.memory_space<vmem_shared>> -> memref<128x128xf32, #tpu.memory_space<vmem_shared>>
      tpu.wait_dma2 semaphore(%run_scoped3A : memref<!tpu.dma_semaphore, #tpu.memory_space<semaphore_mem>>) src(%arg15 : memref<128x128xf32, #tpu.memory_space<vmem>>) dst(%dma_wait3A_134 : memref<128x128xf32, #tpu.memory_space<vmem_shared>>)
      tpu.yield
    }) : () -> ()
    %mul3A_25 = arith.constant 640 : i32
    %mul3A_26 = arith.muli %arg1, %mul3A_25 : i32
    %add3A_27 = arith.constant 512 : i32
    %add3A_28 = arith.addi %mul3A_26, %add3A_27 : i32
    "tpu.region"() ({
      %run_scoped3A = tpu.sem_alloc : memref<!tpu.dma_semaphore, #tpu.memory_space<semaphore_mem>>
      %dma_start3A_127 = arith.constant 0 : i32
      %dma_start3A_128 = tpu.memref_slice %arg17[%add3A_28, %dma_start3A_127] : memref<10240x128xf32, #tpu.memory_space<vmem_shared>> -> memref<128x128xf32, #tpu.memory_space<vmem_shared>>
      %dma_start3A_129 = arith.constant 0 : i32
      %dma_start3A_130 = tpu.memref_slice %arg17[%add3A_28, %dma_start3A_129] : memref<10240x128xf32, #tpu.memory_space<vmem_shared>> -> memref<128x128xf32, #tpu.memory_space<vmem_shared>>
      tpu.enqueue_dma source(%arg15 : memref<128x128xf32, #tpu.memory_space<vmem>>) target(%dma_start3A_130 : memref<128x128xf32, #tpu.memory_space<vmem_shared>>) target_semaphore(%run_scoped3A : memref<!tpu.dma_semaphore, #tpu.memory_space<semaphore_mem>>)
      %dma_wait3A_131 = arith.constant 0 : i32
      %dma_wait3A_132 = tpu.memref_slice %arg17[%add3A_28, %dma_wait3A_131] : memref<10240x128xf32, #tpu.memory_space<vmem_shared>> -> memref<128x128xf32, #tpu.memory_space<vmem_shared>>
      %dma_wait3A_133 = arith.constant 0 : i32
      %dma_wait3A_134 = tpu.memref_slice %arg17[%add3A_28, %dma_wait3A_133] : memref<10240x128xf32, #tpu.memory_space<vmem_shared>> -> memref<128x128xf32, #tpu.memory_space<vmem_shared>>
      tpu.wait_dma2 semaphore(%run_scoped3A : memref<!tpu.dma_semaphore, #tpu.memory_space<semaphore_mem>>) src(%arg15 : memref<128x128xf32, #tpu.memory_space<vmem>>) dst(%dma_wait3A_134 : memref<128x128xf32, #tpu.memory_space<vmem_shared>>)
      tpu.yield
    }) : () -> ()
    %add3A_29 = arith.constant 0 : i32
    %add3A_30 = arith.addi %select_n3A_8, %add3A_29 : i32
    %add3A_31 = arith.constant 0 : i32
    %add3A_32 = arith.addi %add3A_30, %add3A_31 : i32
    %mul3A_33 = arith.constant 128 : i32
    %mul3A_34 = arith.muli %add3A_32, %mul3A_33 : i32
    %dma_start3A = tpu.memref_slice %arg3[%mul3A_34] : memref<327936xi32, #tpu.memory_space<hbm>> -> memref<128xi32, #tpu.memory_space<hbm>>
    %dma_start3A_35 = tpu.memref_slice %arg3[%mul3A_34] : memref<327936xi32, #tpu.memory_space<hbm>> -> memref<128xi32, #tpu.memory_space<hbm>>
    tpu.enqueue_dma source(%dma_start3A_35 : memref<128xi32, #tpu.memory_space<hbm>>) target(%arg7 : memref<128xi32, #tpu.memory_space<vmem>>) target_semaphore(%arg18 : memref<!tpu.dma_semaphore, #tpu.memory_space<semaphore_mem>>)
    %dma_start3A_36 = tpu.memref_slice %arg4[%mul3A_34] : memref<327936xi32, #tpu.memory_space<hbm>> -> memref<128xi32, #tpu.memory_space<hbm>>
    %dma_start3A_37 = tpu.memref_slice %arg4[%mul3A_34] : memref<327936xi32, #tpu.memory_space<hbm>> -> memref<128xi32, #tpu.memory_space<hbm>>
    tpu.enqueue_dma source(%dma_start3A_37 : memref<128xi32, #tpu.memory_space<hbm>>) target(%arg11 : memref<128xi32, #tpu.memory_space<vmem>>) target_semaphore(%arg18 : memref<!tpu.dma_semaphore, #tpu.memory_space<semaphore_mem>>)
    %add3A_38 = arith.constant 0 : i32
    %add3A_39 = arith.addi %select_n3A_8, %add3A_38 : i32
    %add3A_40 = arith.constant 1 : i32
    %add3A_41 = arith.addi %add3A_39, %add3A_40 : i32
    %mul3A_42 = arith.constant 128 : i32
    %mul3A_43 = arith.muli %add3A_41, %mul3A_42 : i32
    %dma_start3A_44 = tpu.memref_slice %arg3[%mul3A_43] : memref<327936xi32, #tpu.memory_space<hbm>> -> memref<128xi32, #tpu.memory_space<hbm>>
    %dma_start3A_45 = tpu.memref_slice %arg3[%mul3A_43] : memref<327936xi32, #tpu.memory_space<hbm>> -> memref<128xi32, #tpu.memory_space<hbm>>
    tpu.enqueue_dma source(%dma_start3A_45 : memref<128xi32, #tpu.memory_space<hbm>>) target(%arg8 : memref<128xi32, #tpu.memory_space<vmem>>) target_semaphore(%arg18 : memref<!tpu.dma_semaphore, #tpu.memory_space<semaphore_mem>>)
    %dma_start3A_46 = tpu.memref_slice %arg4[%mul3A_43] : memref<327936xi32, #tpu.memory_space<hbm>> -> memref<128xi32, #tpu.memory_space<hbm>>
    %dma_start3A_47 = tpu.memref_slice %arg4[%mul3A_43] : memref<327936xi32, #tpu.memory_space<hbm>> -> memref<128xi32, #tpu.memory_space<hbm>>
    tpu.enqueue_dma source(%dma_start3A_47 : memref<128xi32, #tpu.memory_space<hbm>>) target(%arg12 : memref<128xi32, #tpu.memory_space<vmem>>) target_semaphore(%arg18 : memref<!tpu.dma_semaphore, #tpu.memory_space<semaphore_mem>>)
    %dma_wait3A = tpu.memref_slice %arg3[%mul3A_34] : memref<327936xi32, #tpu.memory_space<hbm>> -> memref<128xi32, #tpu.memory_space<hbm>>
    %dma_wait3A_48 = tpu.memref_slice %arg3[%mul3A_34] : memref<327936xi32, #tpu.memory_space<hbm>> -> memref<128xi32, #tpu.memory_space<hbm>>
    tpu.wait_dma2 semaphore(%arg18 : memref<!tpu.dma_semaphore, #tpu.memory_space<semaphore_mem>>) src(%dma_wait3A_48 : memref<128xi32, #tpu.memory_space<hbm>>) dst(%arg7 : memref<128xi32, #tpu.memory_space<vmem>>)
    %dma_wait3A_49 = tpu.memref_slice %arg4[%mul3A_34] : memref<327936xi32, #tpu.memory_space<hbm>> -> memref<128xi32, #tpu.memory_space<hbm>>
    %dma_wait3A_50 = tpu.memref_slice %arg4[%mul3A_34] : memref<327936xi32, #tpu.memory_space<hbm>> -> memref<128xi32, #tpu.memory_space<hbm>>
    tpu.wait_dma2 semaphore(%arg18 : memref<!tpu.dma_semaphore, #tpu.memory_space<semaphore_mem>>) src(%dma_wait3A_50 : memref<128xi32, #tpu.memory_space<hbm>>) dst(%arg11 : memref<128xi32, #tpu.memory_space<vmem>>)
    %dma_wait3A_51 = tpu.memref_slice %arg3[%mul3A_43] : memref<327936xi32, #tpu.memory_space<hbm>> -> memref<128xi32, #tpu.memory_space<hbm>>
    %dma_wait3A_52 = tpu.memref_slice %arg3[%mul3A_43] : memref<327936xi32, #tpu.memory_space<hbm>> -> memref<128xi32, #tpu.memory_space<hbm>>
    tpu.wait_dma2 semaphore(%arg18 : memref<!tpu.dma_semaphore, #tpu.memory_space<semaphore_mem>>) src(%dma_wait3A_52 : memref<128xi32, #tpu.memory_space<hbm>>) dst(%arg8 : memref<128xi32, #tpu.memory_space<vmem>>)
    %dma_wait3A_53 = tpu.memref_slice %arg4[%mul3A_43] : memref<327936xi32, #tpu.memory_space<hbm>> -> memref<128xi32, #tpu.memory_space<hbm>>
    %dma_wait3A_54 = tpu.memref_slice %arg4[%mul3A_43] : memref<327936xi32, #tpu.memory_space<hbm>> -> memref<128xi32, #tpu.memory_space<hbm>>
    tpu.wait_dma2 semaphore(%arg18 : memref<!tpu.dma_semaphore, #tpu.memory_space<semaphore_mem>>) src(%dma_wait3A_54 : memref<128xi32, #tpu.memory_space<hbm>>) dst(%arg12 : memref<128xi32, #tpu.memory_space<vmem>>)
    %barrier3A = arith.constant 0 : index
    tpu.barrier barrier_id(%barrier3A)
    %jit3A_55 = arith.constant 4 : i32
    %div3A = arith.divsi %select_n3A, %jit3A_55 : i32
    %sign3A = arith.constant 0 : i32
    %sign3A_56 = arith.cmpi sgt, %select_n3A, %sign3A : i32
    %sign3A_57 = arith.extui %sign3A_56 : i1 to i32
    %sign3A_58 = arith.constant 0 : i32
    %sign3A_59 = arith.cmpi slt, %select_n3A, %sign3A_58 : i32
    %sign3A_60 = arith.extui %sign3A_59 : i1 to i32
    %sign3A_61 = arith.subi %sign3A_57, %sign3A_60 : i32
    %sign3A_62 = arith.constant 0 : i32
    %sign3A_63 = arith.cmpi sgt, %jit3A_55, %sign3A_62 : i32
    %sign3A_64 = arith.extui %sign3A_63 : i1 to i32
    %sign3A_65 = arith.constant 0 : i32
    %sign3A_66 = arith.cmpi slt, %jit3A_55, %sign3A_65 : i32
    %sign3A_67 = arith.extui %sign3A_66 : i1 to i32
    %sign3A_68 = arith.subi %sign3A_64, %sign3A_67 : i32
    %ne3A = arith.cmpi ne, %sign3A_61, %sign3A_68 : i32
    %rem3A = arith.remsi %select_n3A, %jit3A_55 : i32
    %ne3A_69 = arith.constant 0 : i32
    %ne3A_70 = arith.cmpi ne, %rem3A, %ne3A_69 : i32
    %and3A = arith.andi %ne3A, %ne3A_70 : i1
    %sub3A = arith.constant 1 : i32
    %sub3A_71 = arith.subi %div3A, %sub3A : i32
    %select_n3A_72 = arith.select %and3A, %sub3A_71, %div3A : i32
    %sub3A_73 = arith.constant 0 : i32
    %sub3A_74 = arith.subi %select_n3A_72, %sub3A_73 : i32
    %sub3A_75 = arith.constant 1 : i32
    %sub3A_76 = arith.constant 1 : i32
    %sub3A_77 = arith.subi %sub3A_75, %sub3A_76 : i32
    %add3A_78 = arith.addi %sub3A_74, %sub3A_77 : i32
    %div3A_79 = arith.constant 1 : i32
    %div3A_80 = arith.divsi %add3A_78, %div3A_79 : i32
    %while3A = arith.constant 1 : i32
    %while3A_81 = arith.constant 0 : i32
    %while3A_82 = arith.constant 0 : i32
    %while3A_83 = arith.subi %div3A_80, %while3A_82 : i32
    %while3A_84 = arith.addi %while3A_82, %while3A_83 : i32
    %while3A_85 = arith.constant 1 : i32
    %while3A_86 = arith.divsi %while3A_83, %while3A_85 : i32
    %while3A_87 = arith.muli %while3A_86, %while3A_85 : i32
    %while3A_88 = arith.addi %while3A_82, %while3A_87 : i32
    %while3A_89 = arith.constant 1 : i32
    scf.for %while3A_127 = %while3A_82 to %while3A_88 step %while3A_89  : i32 {
      %mul3A_128 = arith.muli %while3A_127, %while3A : i32
      %add3A_129 = arith.addi %while3A_81, %mul3A_128 : i32
      %mul3A_130 = arith.constant 4 : i32
      %mul3A_131 = arith.muli %add3A_129, %mul3A_130 : i32
      %dma_start3A_132 = arith.constant 0 : i32
      %dma_start3A_133 = arith.constant 0 : i32
      %dma_start3A_134 = tpu.memref_slice %arg2[%dma_start3A_132, %dma_start3A_133] : memref<10240x128xf32, #tpu.memory_space<hbm>> -> memref<10240x128xf32, #tpu.memory_space<hbm>>
      tpu.enqueue_indirect_dma source(%dma_start3A_134 : memref<10240x128xf32, #tpu.memory_space<hbm>>) target(%arg15 : memref<128x128xf32, #tpu.memory_space<vmem>>) offsets(%arg7 : memref<128xi32, #tpu.memory_space<vmem>>) semaphore(%arg19 : memref<!tpu.dma_semaphore, #tpu.memory_space<semaphore_mem>>)
      %dma_start3A_135 = arith.constant 0 : i32
      %dma_start3A_136 = arith.constant 0 : i32
      %dma_start3A_137 = tpu.memref_slice %arg2[%dma_start3A_135, %dma_start3A_136] : memref<10240x128xf32, #tpu.memory_space<hbm>> -> memref<10240x128xf32, #tpu.memory_space<hbm>>
      tpu.enqueue_indirect_dma source(%dma_start3A_137 : memref<10240x128xf32, #tpu.memory_space<hbm>>) target(%arg16 : memref<128x128xf32, #tpu.memory_space<vmem>>) offsets(%arg8 : memref<128xi32, #tpu.memory_space<vmem>>) semaphore(%arg20 : memref<!tpu.dma_semaphore, #tpu.memory_space<semaphore_mem>>)
      %add3A_138 = arith.constant 0 : i32
      %add3A_139 = arith.addi %mul3A_131, %add3A_138 : i32
      %add3A_140 = arith.constant 2 : i32
      %add3A_141 = arith.addi %add3A_139, %add3A_140 : i32
      %add3A_142 = arith.addi %select_n3A_8, %add3A_141 : i32
      %add3A_143 = arith.constant 0 : i32
      %add3A_144 = arith.addi %add3A_142, %add3A_143 : i32
      %mul3A_145 = arith.constant 128 : i32
      %mul3A_146 = arith.muli %add3A_144, %mul3A_145 : i32
      %dma_start3A_147 = tpu.memref_slice %arg3[%mul3A_146] : memref<327936xi32, #tpu.memory_space<hbm>> -> memref<128xi32, #tpu.memory_space<hbm>>
      %dma_start3A_148 = tpu.memref_slice %arg3[%mul3A_146] : memref<327936xi32, #tpu.memory_space<hbm>> -> memref<128xi32, #tpu.memory_space<hbm>>
      tpu.enqueue_dma source(%dma_start3A_148 : memref<128xi32, #tpu.memory_space<hbm>>) target(%arg9 : memref<128xi32, #tpu.memory_space<vmem>>) target_semaphore(%arg18 : memref<!tpu.dma_semaphore, #tpu.memory_space<semaphore_mem>>)
      %dma_start3A_149 = tpu.memref_slice %arg4[%mul3A_146] : memref<327936xi32, #tpu.memory_space<hbm>> -> memref<128xi32, #tpu.memory_space<hbm>>
      %dma_start3A_150 = tpu.memref_slice %arg4[%mul3A_146] : memref<327936xi32, #tpu.memory_space<hbm>> -> memref<128xi32, #tpu.memory_space<hbm>>
      tpu.enqueue_dma source(%dma_start3A_150 : memref<128xi32, #tpu.memory_space<hbm>>) target(%arg13 : memref<128xi32, #tpu.memory_space<vmem>>) target_semaphore(%arg18 : memref<!tpu.dma_semaphore, #tpu.memory_space<semaphore_mem>>)
      %add3A_151 = arith.addi %select_n3A_8, %add3A_141 : i32
      %add3A_152 = arith.constant 1 : i32
      %add3A_153 = arith.addi %add3A_151, %add3A_152 : i32
      %mul3A_154 = arith.constant 128 : i32
      %mul3A_155 = arith.muli %add3A_153, %mul3A_154 : i32
      %dma_start3A_156 = tpu.memref_slice %arg3[%mul3A_155] : memref<327936xi32, #tpu.memory_space<hbm>> -> memref<128xi32, #tpu.memory_space<hbm>>
      %dma_start3A_157 = tpu.memref_slice %arg3[%mul3A_155] : memref<327936xi32, #tpu.memory_space<hbm>> -> memref<128xi32, #tpu.memory_space<hbm>>
      tpu.enqueue_dma source(%dma_start3A_157 : memref<128xi32, #tpu.memory_space<hbm>>) target(%arg10 : memref<128xi32, #tpu.memory_space<vmem>>) target_semaphore(%arg18 : memref<!tpu.dma_semaphore, #tpu.memory_space<semaphore_mem>>)
      %dma_start3A_158 = tpu.memref_slice %arg4[%mul3A_155] : memref<327936xi32, #tpu.memory_space<hbm>> -> memref<128xi32, #tpu.memory_space<hbm>>
      %dma_start3A_159 = tpu.memref_slice %arg4[%mul3A_155] : memref<327936xi32, #tpu.memory_space<hbm>> -> memref<128xi32, #tpu.memory_space<hbm>>
      tpu.enqueue_dma source(%dma_start3A_159 : memref<128xi32, #tpu.memory_space<hbm>>) target(%arg14 : memref<128xi32, #tpu.memory_space<vmem>>) target_semaphore(%arg18 : memref<!tpu.dma_semaphore, #tpu.memory_space<semaphore_mem>>)
      %dma_wait3A_160 = tpu.memref_slice %arg3[%mul3A_146] : memref<327936xi32, #tpu.memory_space<hbm>> -> memref<128xi32, #tpu.memory_space<hbm>>
      %dma_wait3A_161 = tpu.memref_slice %arg3[%mul3A_146] : memref<327936xi32, #tpu.memory_space<hbm>> -> memref<128xi32, #tpu.memory_space<hbm>>
      tpu.wait_dma2 semaphore(%arg18 : memref<!tpu.dma_semaphore, #tpu.memory_space<semaphore_mem>>) src(%dma_wait3A_161 : memref<128xi32, #tpu.memory_space<hbm>>) dst(%arg9 : memref<128xi32, #tpu.memory_space<vmem>>)
      %dma_wait3A_162 = tpu.memref_slice %arg4[%mul3A_146] : memref<327936xi32, #tpu.memory_space<hbm>> -> memref<128xi32, #tpu.memory_space<hbm>>
      %dma_wait3A_163 = tpu.memref_slice %arg4[%mul3A_146] : memref<327936xi32, #tpu.memory_space<hbm>> -> memref<128xi32, #tpu.memory_space<hbm>>
      tpu.wait_dma2 semaphore(%arg18 : memref<!tpu.dma_semaphore, #tpu.memory_space<semaphore_mem>>) src(%dma_wait3A_163 : memref<128xi32, #tpu.memory_space<hbm>>) dst(%arg13 : memref<128xi32, #tpu.memory_space<vmem>>)
      %dma_wait3A_164 = tpu.memref_slice %arg3[%mul3A_155] : memref<327936xi32, #tpu.memory_space<hbm>> -> memref<128xi32, #tpu.memory_space<hbm>>
      %dma_wait3A_165 = tpu.memref_slice %arg3[%mul3A_155] : memref<327936xi32, #tpu.memory_space<hbm>> -> memref<128xi32, #tpu.memory_space<hbm>>
      tpu.wait_dma2 semaphore(%arg18 : memref<!tpu.dma_semaphore, #tpu.memory_space<semaphore_mem>>) src(%dma_wait3A_165 : memref<128xi32, #tpu.memory_space<hbm>>) dst(%arg10 : memref<128xi32, #tpu.memory_space<vmem>>)
      %dma_wait3A_166 = tpu.memref_slice %arg4[%mul3A_155] : memref<327936xi32, #tpu.memory_space<hbm>> -> memref<128xi32, #tpu.memory_space<hbm>>
      %dma_wait3A_167 = tpu.memref_slice %arg4[%mul3A_155] : memref<327936xi32, #tpu.memory_space<hbm>> -> memref<128xi32, #tpu.memory_space<hbm>>
      tpu.wait_dma2 semaphore(%arg18 : memref<!tpu.dma_semaphore, #tpu.memory_space<semaphore_mem>>) src(%dma_wait3A_167 : memref<128xi32, #tpu.memory_space<hbm>>) dst(%arg14 : memref<128xi32, #tpu.memory_space<vmem>>)
      %dma_wait3A_168 = arith.constant 0 : i32
      %dma_wait3A_169 = arith.constant 0 : i32
      %dma_wait3A_170 = tpu.memref_slice %arg2[%dma_wait3A_168, %dma_wait3A_169] : memref<10240x128xf32, #tpu.memory_space<hbm>> -> memref<10240x128xf32, #tpu.memory_space<hbm>>
      tpu.wait_indirect_dma semaphore(%arg19 : memref<!tpu.dma_semaphore, #tpu.memory_space<semaphore_mem>>) src(%dma_wait3A_170 : memref<10240x128xf32, #tpu.memory_space<hbm>>) dst(%arg15 : memref<128x128xf32, #tpu.memory_space<vmem>>)
      %dma_wait3A_171 = arith.constant 0 : i32
      %dma_wait3A_172 = arith.constant 0 : i32
      %dma_wait3A_173 = tpu.memref_slice %arg2[%dma_wait3A_171, %dma_wait3A_172] : memref<10240x128xf32, #tpu.memory_space<hbm>> -> memref<10240x128xf32, #tpu.memory_space<hbm>>
      tpu.wait_indirect_dma semaphore(%arg20 : memref<!tpu.dma_semaphore, #tpu.memory_space<semaphore_mem>>) src(%dma_wait3A_173 : memref<10240x128xf32, #tpu.memory_space<hbm>>) dst(%arg16 : memref<128x128xf32, #tpu.memory_space<vmem>>)
      "tpu.region"() ({
        %run_scoped3A = tpu.sem_alloc : memref<!tpu.dma_semaphore, #tpu.memory_space<semaphore_mem>>
        %dma_start3A_216 = arith.constant 0 : i32
        %dma_start3A_217 = arith.constant 0 : i32
        %dma_start3A_218 = tpu.memref_slice %arg17[%dma_start3A_216, %dma_start3A_217] : memref<10240x128xf32, #tpu.memory_space<vmem_shared>> -> memref<10240x128xf32, #tpu.memory_space<vmem_shared>>
        tpu.enqueue_indirect_dma source(%arg15 : memref<128x128xf32, #tpu.memory_space<vmem>>) target(%dma_start3A_218 : memref<10240x128xf32, #tpu.memory_space<vmem_shared>>) offsets(%arg11 : memref<128xi32, #tpu.memory_space<vmem>>) semaphore(%run_scoped3A : memref<!tpu.dma_semaphore, #tpu.memory_space<semaphore_mem>>) {add = true}
        %dma_wait3A_219 = arith.constant 0 : i32
        %dma_wait3A_220 = arith.constant 0 : i32
        %dma_wait3A_221 = tpu.memref_slice %arg17[%dma_wait3A_219, %dma_wait3A_220] : memref<10240x128xf32, #tpu.memory_space<vmem_shared>> -> memref<10240x128xf32, #tpu.memory_space<vmem_shared>>
        tpu.wait_indirect_dma semaphore(%run_scoped3A : memref<!tpu.dma_semaphore, #tpu.memory_space<semaphore_mem>>) src(%arg15 : memref<128x128xf32, #tpu.memory_space<vmem>>) dst(%dma_wait3A_221 : memref<10240x128xf32, #tpu.memory_space<vmem_shared>>)
        tpu.yield
      }) : () -> ()
      "tpu.region"() ({
        %run_scoped3A = tpu.sem_alloc : memref<!tpu.dma_semaphore, #tpu.memory_space<semaphore_mem>>
        %dma_start3A_216 = arith.constant 0 : i32
        %dma_start3A_217 = arith.constant 0 : i32
        %dma_start3A_218 = tpu.memref_slice %arg17[%dma_start3A_216, %dma_start3A_217] : memref<10240x128xf32, #tpu.memory_space<vmem_shared>> -> memref<10240x128xf32, #tpu.memory_space<vmem_shared>>
        tpu.enqueue_indirect_dma source(%arg16 : memref<128x128xf32, #tpu.memory_space<vmem>>) target(%dma_start3A_218 : memref<10240x128xf32, #tpu.memory_space<vmem_shared>>) offsets(%arg12 : memref<128xi32, #tpu.memory_space<vmem>>) semaphore(%run_scoped3A : memref<!tpu.dma_semaphore, #tpu.memory_space<semaphore_mem>>) {add = true}
        %dma_wait3A_219 = arith.constant 0 : i32
        %dma_wait3A_220 = arith.constant 0 : i32
        %dma_wait3A_221 = tpu.memref_slice %arg17[%dma_wait3A_219, %dma_wait3A_220] : memref<10240x128xf32, #tpu.memory_space<vmem_shared>> -> memref<10240x128xf32, #tpu.memory_space<vmem_shared>>
        tpu.wait_indirect_dma semaphore(%run_scoped3A : memref<!tpu.dma_semaphore, #tpu.memory_space<semaphore_mem>>) src(%arg16 : memref<128x128xf32, #tpu.memory_space<vmem>>) dst(%dma_wait3A_221 : memref<10240x128xf32, #tpu.memory_space<vmem_shared>>)
        tpu.yield
      }) : () -> ()
      %dma_start3A_174 = arith.constant 0 : i32
      %dma_start3A_175 = arith.constant 0 : i32
      %dma_start3A_176 = tpu.memref_slice %arg2[%dma_start3A_174, %dma_start3A_175] : memref<10240x128xf32, #tpu.memory_space<hbm>> -> memref<10240x128xf32, #tpu.memory_space<hbm>>
      tpu.enqueue_indirect_dma source(%dma_start3A_176 : memref<10240x128xf32, #tpu.memory_space<hbm>>) target(%arg15 : memref<128x128xf32, #tpu.memory_space<vmem>>) offsets(%arg9 : memref<128xi32, #tpu.memory_space<vmem>>) semaphore(%arg19 : memref<!tpu.dma_semaphore, #tpu.memory_space<semaphore_mem>>)
      %dma_start3A_177 = arith.constant 0 : i32
      %dma_start3A_178 = arith.constant 0 : i32
      %dma_start3A_179 = tpu.memref_slice %arg2[%dma_start3A_177, %dma_start3A_178] : memref<10240x128xf32, #tpu.memory_space<hbm>> -> memref<10240x128xf32, #tpu.memory_space<hbm>>
      tpu.enqueue_indirect_dma source(%dma_start3A_179 : memref<10240x128xf32, #tpu.memory_space<hbm>>) target(%arg16 : memref<128x128xf32, #tpu.memory_space<vmem>>) offsets(%arg10 : memref<128xi32, #tpu.memory_space<vmem>>) semaphore(%arg20 : memref<!tpu.dma_semaphore, #tpu.memory_space<semaphore_mem>>)
      %add3A_180 = arith.constant 2 : i32
      %add3A_181 = arith.addi %mul3A_131, %add3A_180 : i32
      %add3A_182 = arith.constant 2 : i32
      %add3A_183 = arith.addi %add3A_181, %add3A_182 : i32
      %add3A_184 = arith.addi %select_n3A_8, %add3A_183 : i32
      %add3A_185 = arith.constant 0 : i32
      %add3A_186 = arith.addi %add3A_184, %add3A_185 : i32
      %mul3A_187 = arith.constant 128 : i32
      %mul3A_188 = arith.muli %add3A_186, %mul3A_187 : i32
      %dma_start3A_189 = tpu.memref_slice %arg3[%mul3A_188] : memref<327936xi32, #tpu.memory_space<hbm>> -> memref<128xi32, #tpu.memory_space<hbm>>
      %dma_start3A_190 = tpu.memref_slice %arg3[%mul3A_188] : memref<327936xi32, #tpu.memory_space<hbm>> -> memref<128xi32, #tpu.memory_space<hbm>>
      tpu.enqueue_dma source(%dma_start3A_190 : memref<128xi32, #tpu.memory_space<hbm>>) target(%arg7 : memref<128xi32, #tpu.memory_space<vmem>>) target_semaphore(%arg18 : memref<!tpu.dma_semaphore, #tpu.memory_space<semaphore_mem>>)
      %dma_start3A_191 = tpu.memref_slice %arg4[%mul3A_188] : memref<327936xi32, #tpu.memory_space<hbm>> -> memref<128xi32, #tpu.memory_space<hbm>>
      %dma_start3A_192 = tpu.memref_slice %arg4[%mul3A_188] : memref<327936xi32, #tpu.memory_space<hbm>> -> memref<128xi32, #tpu.memory_space<hbm>>
      tpu.enqueue_dma source(%dma_start3A_192 : memref<128xi32, #tpu.memory_space<hbm>>) target(%arg11 : memref<128xi32, #tpu.memory_space<vmem>>) target_semaphore(%arg18 : memref<!tpu.dma_semaphore, #tpu.memory_space<semaphore_mem>>)
      %add3A_193 = arith.addi %select_n3A_8, %add3A_183 : i32
      %add3A_194 = arith.constant 1 : i32
      %add3A_195 = arith.addi %add3A_193, %add3A_194 : i32
      %mul3A_196 = arith.constant 128 : i32
      %mul3A_197 = arith.muli %add3A_195, %mul3A_196 : i32
      %dma_start3A_198 = tpu.memref_slice %arg3[%mul3A_197] : memref<327936xi32, #tpu.memory_space<hbm>> -> memref<128xi32, #tpu.memory_space<hbm>>
      %dma_start3A_199 = tpu.memref_slice %arg3[%mul3A_197] : memref<327936xi32, #tpu.memory_space<hbm>> -> memref<128xi32, #tpu.memory_space<hbm>>
      tpu.enqueue_dma source(%dma_start3A_199 : memref<128xi32, #tpu.memory_space<hbm>>) target(%arg8 : memref<128xi32, #tpu.memory_space<vmem>>) target_semaphore(%arg18 : memref<!tpu.dma_semaphore, #tpu.memory_space<semaphore_mem>>)
      %dma_start3A_200 = tpu.memref_slice %arg4[%mul3A_197] : memref<327936xi32, #tpu.memory_space<hbm>> -> memref<128xi32, #tpu.memory_space<hbm>>
      %dma_start3A_201 = tpu.memref_slice %arg4[%mul3A_197] : memref<327936xi32, #tpu.memory_space<hbm>> -> memref<128xi32, #tpu.memory_space<hbm>>
      tpu.enqueue_dma source(%dma_start3A_201 : memref<128xi32, #tpu.memory_space<hbm>>) target(%arg12 : memref<128xi32, #tpu.memory_space<vmem>>) target_semaphore(%arg18 : memref<!tpu.dma_semaphore, #tpu.memory_space<semaphore_mem>>)
      %dma_wait3A_202 = tpu.memref_slice %arg3[%mul3A_188] : memref<327936xi32, #tpu.memory_space<hbm>> -> memref<128xi32, #tpu.memory_space<hbm>>
      %dma_wait3A_203 = tpu.memref_slice %arg3[%mul3A_188] : memref<327936xi32, #tpu.memory_space<hbm>> -> memref<128xi32, #tpu.memory_space<hbm>>
      tpu.wait_dma2 semaphore(%arg18 : memref<!tpu.dma_semaphore, #tpu.memory_space<semaphore_mem>>) src(%dma_wait3A_203 : memref<128xi32, #tpu.memory_space<hbm>>) dst(%arg7 : memref<128xi32, #tpu.memory_space<vmem>>)
      %dma_wait3A_204 = tpu.memref_slice %arg4[%mul3A_188] : memref<327936xi32, #tpu.memory_space<hbm>> -> memref<128xi32, #tpu.memory_space<hbm>>
      %dma_wait3A_205 = tpu.memref_slice %arg4[%mul3A_188] : memref<327936xi32, #tpu.memory_space<hbm>> -> memref<128xi32, #tpu.memory_space<hbm>>
      tpu.wait_dma2 semaphore(%arg18 : memref<!tpu.dma_semaphore, #tpu.memory_space<semaphore_mem>>) src(%dma_wait3A_205 : memref<128xi32, #tpu.memory_space<hbm>>) dst(%arg11 : memref<128xi32, #tpu.memory_space<vmem>>)
      %dma_wait3A_206 = tpu.memref_slice %arg3[%mul3A_197] : memref<327936xi32, #tpu.memory_space<hbm>> -> memref<128xi32, #tpu.memory_space<hbm>>
      %dma_wait3A_207 = tpu.memref_slice %arg3[%mul3A_197] : memref<327936xi32, #tpu.memory_space<hbm>> -> memref<128xi32, #tpu.memory_space<hbm>>
      tpu.wait_dma2 semaphore(%arg18 : memref<!tpu.dma_semaphore, #tpu.memory_space<semaphore_mem>>) src(%dma_wait3A_207 : memref<128xi32, #tpu.memory_space<hbm>>) dst(%arg8 : memref<128xi32, #tpu.memory_space<vmem>>)
      %dma_wait3A_208 = tpu.memref_slice %arg4[%mul3A_197] : memref<327936xi32, #tpu.memory_space<hbm>> -> memref<128xi32, #tpu.memory_space<hbm>>
      %dma_wait3A_209 = tpu.memref_slice %arg4[%mul3A_197] : memref<327936xi32, #tpu.memory_space<hbm>> -> memref<128xi32, #tpu.memory_space<hbm>>
      tpu.wait_dma2 semaphore(%arg18 : memref<!tpu.dma_semaphore, #tpu.memory_space<semaphore_mem>>) src(%dma_wait3A_209 : memref<128xi32, #tpu.memory_space<hbm>>) dst(%arg12 : memref<128xi32, #tpu.memory_space<vmem>>)
      %dma_wait3A_210 = arith.constant 0 : i32
      %dma_wait3A_211 = arith.constant 0 : i32
      %dma_wait3A_212 = tpu.memref_slice %arg2[%dma_wait3A_210, %dma_wait3A_211] : memref<10240x128xf32, #tpu.memory_space<hbm>> -> memref<10240x128xf32, #tpu.memory_space<hbm>>
      tpu.wait_indirect_dma semaphore(%arg19 : memref<!tpu.dma_semaphore, #tpu.memory_space<semaphore_mem>>) src(%dma_wait3A_212 : memref<10240x128xf32, #tpu.memory_space<hbm>>) dst(%arg15 : memref<128x128xf32, #tpu.memory_space<vmem>>)
      %dma_wait3A_213 = arith.constant 0 : i32
      %dma_wait3A_214 = arith.constant 0 : i32
      %dma_wait3A_215 = tpu.memref_slice %arg2[%dma_wait3A_213, %dma_wait3A_214] : memref<10240x128xf32, #tpu.memory_space<hbm>> -> memref<10240x128xf32, #tpu.memory_space<hbm>>
      tpu.wait_indirect_dma semaphore(%arg20 : memref<!tpu.dma_semaphore, #tpu.memory_space<semaphore_mem>>) src(%dma_wait3A_215 : memref<10240x128xf32, #tpu.memory_space<hbm>>) dst(%arg16 : memref<128x128xf32, #tpu.memory_space<vmem>>)
      "tpu.region"() ({
        %run_scoped3A = tpu.sem_alloc : memref<!tpu.dma_semaphore, #tpu.memory_space<semaphore_mem>>
        %dma_start3A_216 = arith.constant 0 : i32
        %dma_start3A_217 = arith.constant 0 : i32
        %dma_start3A_218 = tpu.memref_slice %arg17[%dma_start3A_216, %dma_start3A_217] : memref<10240x128xf32, #tpu.memory_space<vmem_shared>> -> memref<10240x128xf32, #tpu.memory_space<vmem_shared>>
        tpu.enqueue_indirect_dma source(%arg15 : memref<128x128xf32, #tpu.memory_space<vmem>>) target(%dma_start3A_218 : memref<10240x128xf32, #tpu.memory_space<vmem_shared>>) offsets(%arg13 : memref<128xi32, #tpu.memory_space<vmem>>) semaphore(%run_scoped3A : memref<!tpu.dma_semaphore, #tpu.memory_space<semaphore_mem>>) {add = true}
        %dma_wait3A_219 = arith.constant 0 : i32
        %dma_wait3A_220 = arith.constant 0 : i32
        %dma_wait3A_221 = tpu.memref_slice %arg17[%dma_wait3A_219, %dma_wait3A_220] : memref<10240x128xf32, #tpu.memory_space<vmem_shared>> -> memref<10240x128xf32, #tpu.memory_space<vmem_shared>>
        tpu.wait_indirect_dma semaphore(%run_scoped3A : memref<!tpu.dma_semaphore, #tpu.memory_space<semaphore_mem>>) src(%arg15 : memref<128x128xf32, #tpu.memory_space<vmem>>) dst(%dma_wait3A_221 : memref<10240x128xf32, #tpu.memory_space<vmem_shared>>)
        tpu.yield
      }) : () -> ()
      "tpu.region"() ({
        %run_scoped3A = tpu.sem_alloc : memref<!tpu.dma_semaphore, #tpu.memory_space<semaphore_mem>>
        %dma_start3A_216 = arith.constant 0 : i32
        %dma_start3A_217 = arith.constant 0 : i32
        %dma_start3A_218 = tpu.memref_slice %arg17[%dma_start3A_216, %dma_start3A_217] : memref<10240x128xf32, #tpu.memory_space<vmem_shared>> -> memref<10240x128xf32, #tpu.memory_space<vmem_shared>>
        tpu.enqueue_indirect_dma source(%arg16 : memref<128x128xf32, #tpu.memory_space<vmem>>) target(%dma_start3A_218 : memref<10240x128xf32, #tpu.memory_space<vmem_shared>>) offsets(%arg14 : memref<128xi32, #tpu.memory_space<vmem>>) semaphore(%run_scoped3A : memref<!tpu.dma_semaphore, #tpu.memory_space<semaphore_mem>>) {add = true}
        %dma_wait3A_219 = arith.constant 0 : i32
        %dma_wait3A_220 = arith.constant 0 : i32
        %dma_wait3A_221 = tpu.memref_slice %arg17[%dma_wait3A_219, %dma_wait3A_220] : memref<10240x128xf32, #tpu.memory_space<vmem_shared>> -> memref<10240x128xf32, #tpu.memory_space<vmem_shared>>
        tpu.wait_indirect_dma semaphore(%run_scoped3A : memref<!tpu.dma_semaphore, #tpu.memory_space<semaphore_mem>>) src(%arg16 : memref<128x128xf32, #tpu.memory_space<vmem>>) dst(%dma_wait3A_221 : memref<10240x128xf32, #tpu.memory_space<vmem_shared>>)
        tpu.yield
      }) : () -> ()
    }
    %while3A_90 = arith.constant 1 : i32
    scf.for %while3A_127 = %while3A_88 to %while3A_84 step %while3A_90  : i32 {
      %mul3A_128 = arith.muli %while3A_127, %while3A : i32
      %add3A_129 = arith.addi %while3A_81, %mul3A_128 : i32
      %mul3A_130 = arith.constant 4 : i32
      %mul3A_131 = arith.muli %add3A_129, %mul3A_130 : i32
      %dma_start3A_132 = arith.constant 0 : i32
      %dma_start3A_133 = arith.constant 0 : i32
      %dma_start3A_134 = tpu.memref_slice %arg2[%dma_start3A_132, %dma_start3A_133] : memref<10240x128xf32, #tpu.memory_space<hbm>> -> memref<10240x128xf32, #tpu.memory_space<hbm>>
      tpu.enqueue_indirect_dma source(%dma_start3A_134 : memref<10240x128xf32, #tpu.memory_space<hbm>>) target(%arg15 : memref<128x128xf32, #tpu.memory_space<vmem>>) offsets(%arg7 : memref<128xi32, #tpu.memory_space<vmem>>) semaphore(%arg19 : memref<!tpu.dma_semaphore, #tpu.memory_space<semaphore_mem>>)
      %dma_start3A_135 = arith.constant 0 : i32
      %dma_start3A_136 = arith.constant 0 : i32
      %dma_start3A_137 = tpu.memref_slice %arg2[%dma_start3A_135, %dma_start3A_136] : memref<10240x128xf32, #tpu.memory_space<hbm>> -> memref<10240x128xf32, #tpu.memory_space<hbm>>
      tpu.enqueue_indirect_dma source(%dma_start3A_137 : memref<10240x128xf32, #tpu.memory_space<hbm>>) target(%arg16 : memref<128x128xf32, #tpu.memory_space<vmem>>) offsets(%arg8 : memref<128xi32, #tpu.memory_space<vmem>>) semaphore(%arg20 : memref<!tpu.dma_semaphore, #tpu.memory_space<semaphore_mem>>)
      %add3A_138 = arith.constant 0 : i32
      %add3A_139 = arith.addi %mul3A_131, %add3A_138 : i32
      %add3A_140 = arith.constant 2 : i32
      %add3A_141 = arith.addi %add3A_139, %add3A_140 : i32
      %add3A_142 = arith.addi %select_n3A_8, %add3A_141 : i32
      %add3A_143 = arith.constant 0 : i32
      %add3A_144 = arith.addi %add3A_142, %add3A_143 : i32
      %mul3A_145 = arith.constant 128 : i32
      %mul3A_146 = arith.muli %add3A_144, %mul3A_145 : i32
      %dma_start3A_147 = tpu.memref_slice %arg3[%mul3A_146] : memref<327936xi32, #tpu.memory_space<hbm>> -> memref<128xi32, #tpu.memory_space<hbm>>
      %dma_start3A_148 = tpu.memref_slice %arg3[%mul3A_146] : memref<327936xi32, #tpu.memory_space<hbm>> -> memref<128xi32, #tpu.memory_space<hbm>>
      tpu.enqueue_dma source(%dma_start3A_148 : memref<128xi32, #tpu.memory_space<hbm>>) target(%arg9 : memref<128xi32, #tpu.memory_space<vmem>>) target_semaphore(%arg18 : memref<!tpu.dma_semaphore, #tpu.memory_space<semaphore_mem>>)
      %dma_start3A_149 = tpu.memref_slice %arg4[%mul3A_146] : memref<327936xi32, #tpu.memory_space<hbm>> -> memref<128xi32, #tpu.memory_space<hbm>>
      %dma_start3A_150 = tpu.memref_slice %arg4[%mul3A_146] : memref<327936xi32, #tpu.memory_space<hbm>> -> memref<128xi32, #tpu.memory_space<hbm>>
      tpu.enqueue_dma source(%dma_start3A_150 : memref<128xi32, #tpu.memory_space<hbm>>) target(%arg13 : memref<128xi32, #tpu.memory_space<vmem>>) target_semaphore(%arg18 : memref<!tpu.dma_semaphore, #tpu.memory_space<semaphore_mem>>)
      %add3A_151 = arith.addi %select_n3A_8, %add3A_141 : i32
      %add3A_152 = arith.constant 1 : i32
      %add3A_153 = arith.addi %add3A_151, %add3A_152 : i32
      %mul3A_154 = arith.constant 128 : i32
      %mul3A_155 = arith.muli %add3A_153, %mul3A_154 : i32
      %dma_start3A_156 = tpu.memref_slice %arg3[%mul3A_155] : memref<327936xi32, #tpu.memory_space<hbm>> -> memref<128xi32, #tpu.memory_space<hbm>>
      %dma_start3A_157 = tpu.memref_slice %arg3[%mul3A_155] : memref<327936xi32, #tpu.memory_space<hbm>> -> memref<128xi32, #tpu.memory_space<hbm>>
      tpu.enqueue_dma source(%dma_start3A_157 : memref<128xi32, #tpu.memory_space<hbm>>) target(%arg10 : memref<128xi32, #tpu.memory_space<vmem>>) target_semaphore(%arg18 : memref<!tpu.dma_semaphore, #tpu.memory_space<semaphore_mem>>)
      %dma_start3A_158 = tpu.memref_slice %arg4[%mul3A_155] : memref<327936xi32, #tpu.memory_space<hbm>> -> memref<128xi32, #tpu.memory_space<hbm>>
      %dma_start3A_159 = tpu.memref_slice %arg4[%mul3A_155] : memref<327936xi32, #tpu.memory_space<hbm>> -> memref<128xi32, #tpu.memory_space<hbm>>
      tpu.enqueue_dma source(%dma_start3A_159 : memref<128xi32, #tpu.memory_space<hbm>>) target(%arg14 : memref<128xi32, #tpu.memory_space<vmem>>) target_semaphore(%arg18 : memref<!tpu.dma_semaphore, #tpu.memory_space<semaphore_mem>>)
      %dma_wait3A_160 = tpu.memref_slice %arg3[%mul3A_146] : memref<327936xi32, #tpu.memory_space<hbm>> -> memref<128xi32, #tpu.memory_space<hbm>>
      %dma_wait3A_161 = tpu.memref_slice %arg3[%mul3A_146] : memref<327936xi32, #tpu.memory_space<hbm>> -> memref<128xi32, #tpu.memory_space<hbm>>
      tpu.wait_dma2 semaphore(%arg18 : memref<!tpu.dma_semaphore, #tpu.memory_space<semaphore_mem>>) src(%dma_wait3A_161 : memref<128xi32, #tpu.memory_space<hbm>>) dst(%arg9 : memref<128xi32, #tpu.memory_space<vmem>>)
      %dma_wait3A_162 = tpu.memref_slice %arg4[%mul3A_146] : memref<327936xi32, #tpu.memory_space<hbm>> -> memref<128xi32, #tpu.memory_space<hbm>>
      %dma_wait3A_163 = tpu.memref_slice %arg4[%mul3A_146] : memref<327936xi32, #tpu.memory_space<hbm>> -> memref<128xi32, #tpu.memory_space<hbm>>
      tpu.wait_dma2 semaphore(%arg18 : memref<!tpu.dma_semaphore, #tpu.memory_space<semaphore_mem>>) src(%dma_wait3A_163 : memref<128xi32, #tpu.memory_space<hbm>>) dst(%arg13 : memref<128xi32, #tpu.memory_space<vmem>>)
      %dma_wait3A_164 = tpu.memref_slice %arg3[%mul3A_155] : memref<327936xi32, #tpu.memory_space<hbm>> -> memref<128xi32, #tpu.memory_space<hbm>>
      %dma_wait3A_165 = tpu.memref_slice %arg3[%mul3A_155] : memref<327936xi32, #tpu.memory_space<hbm>> -> memref<128xi32, #tpu.memory_space<hbm>>
      tpu.wait_dma2 semaphore(%arg18 : memref<!tpu.dma_semaphore, #tpu.memory_space<semaphore_mem>>) src(%dma_wait3A_165 : memref<128xi32, #tpu.memory_space<hbm>>) dst(%arg10 : memref<128xi32, #tpu.memory_space<vmem>>)
      %dma_wait3A_166 = tpu.memref_slice %arg4[%mul3A_155] : memref<327936xi32, #tpu.memory_space<hbm>> -> memref<128xi32, #tpu.memory_space<hbm>>
      %dma_wait3A_167 = tpu.memref_slice %arg4[%mul3A_155] : memref<327936xi32, #tpu.memory_space<hbm>> -> memref<128xi32, #tpu.memory_space<hbm>>
      tpu.wait_dma2 semaphore(%arg18 : memref<!tpu.dma_semaphore, #tpu.memory_space<semaphore_mem>>) src(%dma_wait3A_167 : memref<128xi32, #tpu.memory_space<hbm>>) dst(%arg14 : memref<128xi32, #tpu.memory_space<vmem>>)
      %dma_wait3A_168 = arith.constant 0 : i32
      %dma_wait3A_169 = arith.constant 0 : i32
      %dma_wait3A_170 = tpu.memref_slice %arg2[%dma_wait3A_168, %dma_wait3A_169] : memref<10240x128xf32, #tpu.memory_space<hbm>> -> memref<10240x128xf32, #tpu.memory_space<hbm>>
      tpu.wait_indirect_dma semaphore(%arg19 : memref<!tpu.dma_semaphore, #tpu.memory_space<semaphore_mem>>) src(%dma_wait3A_170 : memref<10240x128xf32, #tpu.memory_space<hbm>>) dst(%arg15 : memref<128x128xf32, #tpu.memory_space<vmem>>)
      %dma_wait3A_171 = arith.constant 0 : i32
      %dma_wait3A_172 = arith.constant 0 : i32
      %dma_wait3A_173 = tpu.memref_slice %arg2[%dma_wait3A_171, %dma_wait3A_172] : memref<10240x128xf32, #tpu.memory_space<hbm>> -> memref<10240x128xf32, #tpu.memory_space<hbm>>
      tpu.wait_indirect_dma semaphore(%arg20 : memref<!tpu.dma_semaphore, #tpu.memory_space<semaphore_mem>>) src(%dma_wait3A_173 : memref<10240x128xf32, #tpu.memory_space<hbm>>) dst(%arg16 : memref<128x128xf32, #tpu.memory_space<vmem>>)
      "tpu.region"() ({
        %run_scoped3A = tpu.sem_alloc : memref<!tpu.dma_semaphore, #tpu.memory_space<semaphore_mem>>
        %dma_start3A_216 = arith.constant 0 : i32
        %dma_start3A_217 = arith.constant 0 : i32
        %dma_start3A_218 = tpu.memref_slice %arg17[%dma_start3A_216, %dma_start3A_217] : memref<10240x128xf32, #tpu.memory_space<vmem_shared>> -> memref<10240x128xf32, #tpu.memory_space<vmem_shared>>
        tpu.enqueue_indirect_dma source(%arg15 : memref<128x128xf32, #tpu.memory_space<vmem>>) target(%dma_start3A_218 : memref<10240x128xf32, #tpu.memory_space<vmem_shared>>) offsets(%arg11 : memref<128xi32, #tpu.memory_space<vmem>>) semaphore(%run_scoped3A : memref<!tpu.dma_semaphore, #tpu.memory_space<semaphore_mem>>) {add = true}
        %dma_wait3A_219 = arith.constant 0 : i32
        %dma_wait3A_220 = arith.constant 0 : i32
        %dma_wait3A_221 = tpu.memref_slice %arg17[%dma_wait3A_219, %dma_wait3A_220] : memref<10240x128xf32, #tpu.memory_space<vmem_shared>> -> memref<10240x128xf32, #tpu.memory_space<vmem_shared>>
        tpu.wait_indirect_dma semaphore(%run_scoped3A : memref<!tpu.dma_semaphore, #tpu.memory_space<semaphore_mem>>) src(%arg15 : memref<128x128xf32, #tpu.memory_space<vmem>>) dst(%dma_wait3A_221 : memref<10240x128xf32, #tpu.memory_space<vmem_shared>>)
        tpu.yield
      }) : () -> ()
      "tpu.region"() ({
        %run_scoped3A = tpu.sem_alloc : memref<!tpu.dma_semaphore, #tpu.memory_space<semaphore_mem>>
        %dma_start3A_216 = arith.constant 0 : i32
        %dma_start3A_217 = arith.constant 0 : i32
        %dma_start3A_218 = tpu.memref_slice %arg17[%dma_start3A_216, %dma_start3A_217] : memref<10240x128xf32, #tpu.memory_space<vmem_shared>> -> memref<10240x128xf32, #tpu.memory_space<vmem_shared>>
        tpu.enqueue_indirect_dma source(%arg16 : memref<128x128xf32, #tpu.memory_space<vmem>>) target(%dma_start3A_218 : memref<10240x128xf32, #tpu.memory_space<vmem_shared>>) offsets(%arg12 : memref<128xi32, #tpu.memory_space<vmem>>) semaphore(%run_scoped3A : memref<!tpu.dma_semaphore, #tpu.memory_space<semaphore_mem>>) {add = true}
        %dma_wait3A_219 = arith.constant 0 : i32
        %dma_wait3A_220 = arith.constant 0 : i32
        %dma_wait3A_221 = tpu.memref_slice %arg17[%dma_wait3A_219, %dma_wait3A_220] : memref<10240x128xf32, #tpu.memory_space<vmem_shared>> -> memref<10240x128xf32, #tpu.memory_space<vmem_shared>>
        tpu.wait_indirect_dma semaphore(%run_scoped3A : memref<!tpu.dma_semaphore, #tpu.memory_space<semaphore_mem>>) src(%arg16 : memref<128x128xf32, #tpu.memory_space<vmem>>) dst(%dma_wait3A_221 : memref<10240x128xf32, #tpu.memory_space<vmem_shared>>)
        tpu.yield
      }) : () -> ()
      %dma_start3A_174 = arith.constant 0 : i32
      %dma_start3A_175 = arith.constant 0 : i32
      %dma_start3A_176 = tpu.memref_slice %arg2[%dma_start3A_174, %dma_start3A_175] : memref<10240x128xf32, #tpu.memory_space<hbm>> -> memref<10240x128xf32, #tpu.memory_space<hbm>>
      tpu.enqueue_indirect_dma source(%dma_start3A_176 : memref<10240x128xf32, #tpu.memory_space<hbm>>) target(%arg15 : memref<128x128xf32, #tpu.memory_space<vmem>>) offsets(%arg9 : memref<128xi32, #tpu.memory_space<vmem>>) semaphore(%arg19 : memref<!tpu.dma_semaphore, #tpu.memory_space<semaphore_mem>>)
      %dma_start3A_177 = arith.constant 0 : i32
      %dma_start3A_178 = arith.constant 0 : i32
      %dma_start3A_179 = tpu.memref_slice %arg2[%dma_start3A_177, %dma_start3A_178] : memref<10240x128xf32, #tpu.memory_space<hbm>> -> memref<10240x128xf32, #tpu.memory_space<hbm>>
      tpu.enqueue_indirect_dma source(%dma_start3A_179 : memref<10240x128xf32, #tpu.memory_space<hbm>>) target(%arg16 : memref<128x128xf32, #tpu.memory_space<vmem>>) offsets(%arg10 : memref<128xi32, #tpu.memory_space<vmem>>) semaphore(%arg20 : memref<!tpu.dma_semaphore, #tpu.memory_space<semaphore_mem>>)
      %add3A_180 = arith.constant 2 : i32
      %add3A_181 = arith.addi %mul3A_131, %add3A_180 : i32
      %add3A_182 = arith.constant 2 : i32
      %add3A_183 = arith.addi %add3A_181, %add3A_182 : i32
      %add3A_184 = arith.addi %select_n3A_8, %add3A_183 : i32
      %add3A_185 = arith.constant 0 : i32
      %add3A_186 = arith.addi %add3A_184, %add3A_185 : i32
      %mul3A_187 = arith.constant 128 : i32
      %mul3A_188 = arith.muli %add3A_186, %mul3A_187 : i32
      %dma_start3A_189 = tpu.memref_slice %arg3[%mul3A_188] : memref<327936xi32, #tpu.memory_space<hbm>> -> memref<128xi32, #tpu.memory_space<hbm>>
      %dma_start3A_190 = tpu.memref_slice %arg3[%mul3A_188] : memref<327936xi32, #tpu.memory_space<hbm>> -> memref<128xi32, #tpu.memory_space<hbm>>
      tpu.enqueue_dma source(%dma_start3A_190 : memref<128xi32, #tpu.memory_space<hbm>>) target(%arg7 : memref<128xi32, #tpu.memory_space<vmem>>) target_semaphore(%arg18 : memref<!tpu.dma_semaphore, #tpu.memory_space<semaphore_mem>>)
      %dma_start3A_191 = tpu.memref_slice %arg4[%mul3A_188] : memref<327936xi32, #tpu.memory_space<hbm>> -> memref<128xi32, #tpu.memory_space<hbm>>
      %dma_start3A_192 = tpu.memref_slice %arg4[%mul3A_188] : memref<327936xi32, #tpu.memory_space<hbm>> -> memref<128xi32, #tpu.memory_space<hbm>>
      tpu.enqueue_dma source(%dma_start3A_192 : memref<128xi32, #tpu.memory_space<hbm>>) target(%arg11 : memref<128xi32, #tpu.memory_space<vmem>>) target_semaphore(%arg18 : memref<!tpu.dma_semaphore, #tpu.memory_space<semaphore_mem>>)
      %add3A_193 = arith.addi %select_n3A_8, %add3A_183 : i32
      %add3A_194 = arith.constant 1 : i32
      %add3A_195 = arith.addi %add3A_193, %add3A_194 : i32
      %mul3A_196 = arith.constant 128 : i32
      %mul3A_197 = arith.muli %add3A_195, %mul3A_196 : i32
      %dma_start3A_198 = tpu.memref_slice %arg3[%mul3A_197] : memref<327936xi32, #tpu.memory_space<hbm>> -> memref<128xi32, #tpu.memory_space<hbm>>
      %dma_start3A_199 = tpu.memref_slice %arg3[%mul3A_197] : memref<327936xi32, #tpu.memory_space<hbm>> -> memref<128xi32, #tpu.memory_space<hbm>>
      tpu.enqueue_dma source(%dma_start3A_199 : memref<128xi32, #tpu.memory_space<hbm>>) target(%arg8 : memref<128xi32, #tpu.memory_space<vmem>>) target_semaphore(%arg18 : memref<!tpu.dma_semaphore, #tpu.memory_space<semaphore_mem>>)
      %dma_start3A_200 = tpu.memref_slice %arg4[%mul3A_197] : memref<327936xi32, #tpu.memory_space<hbm>> -> memref<128xi32, #tpu.memory_space<hbm>>
      %dma_start3A_201 = tpu.memref_slice %arg4[%mul3A_197] : memref<327936xi32, #tpu.memory_space<hbm>> -> memref<128xi32, #tpu.memory_space<hbm>>
      tpu.enqueue_dma source(%dma_start3A_201 : memref<128xi32, #tpu.memory_space<hbm>>) target(%arg12 : memref<128xi32, #tpu.memory_space<vmem>>) target_semaphore(%arg18 : memref<!tpu.dma_semaphore, #tpu.memory_space<semaphore_mem>>)
      %dma_wait3A_202 = tpu.memref_slice %arg3[%mul3A_188] : memref<327936xi32, #tpu.memory_space<hbm>> -> memref<128xi32, #tpu.memory_space<hbm>>
      %dma_wait3A_203 = tpu.memref_slice %arg3[%mul3A_188] : memref<327936xi32, #tpu.memory_space<hbm>> -> memref<128xi32, #tpu.memory_space<hbm>>
      tpu.wait_dma2 semaphore(%arg18 : memref<!tpu.dma_semaphore, #tpu.memory_space<semaphore_mem>>) src(%dma_wait3A_203 : memref<128xi32, #tpu.memory_space<hbm>>) dst(%arg7 : memref<128xi32, #tpu.memory_space<vmem>>)
      %dma_wait3A_204 = tpu.memref_slice %arg4[%mul3A_188] : memref<327936xi32, #tpu.memory_space<hbm>> -> memref<128xi32, #tpu.memory_space<hbm>>
      %dma_wait3A_205 = tpu.memref_slice %arg4[%mul3A_188] : memref<327936xi32, #tpu.memory_space<hbm>> -> memref<128xi32, #tpu.memory_space<hbm>>
      tpu.wait_dma2 semaphore(%arg18 : memref<!tpu.dma_semaphore, #tpu.memory_space<semaphore_mem>>) src(%dma_wait3A_205 : memref<128xi32, #tpu.memory_space<hbm>>) dst(%arg11 : memref<128xi32, #tpu.memory_space<vmem>>)
      %dma_wait3A_206 = tpu.memref_slice %arg3[%mul3A_197] : memref<327936xi32, #tpu.memory_space<hbm>> -> memref<128xi32, #tpu.memory_space<hbm>>
      %dma_wait3A_207 = tpu.memref_slice %arg3[%mul3A_197] : memref<327936xi32, #tpu.memory_space<hbm>> -> memref<128xi32, #tpu.memory_space<hbm>>
      tpu.wait_dma2 semaphore(%arg18 : memref<!tpu.dma_semaphore, #tpu.memory_space<semaphore_mem>>) src(%dma_wait3A_207 : memref<128xi32, #tpu.memory_space<hbm>>) dst(%arg8 : memref<128xi32, #tpu.memory_space<vmem>>)
      %dma_wait3A_208 = tpu.memref_slice %arg4[%mul3A_197] : memref<327936xi32, #tpu.memory_space<hbm>> -> memref<128xi32, #tpu.memory_space<hbm>>
      %dma_wait3A_209 = tpu.memref_slice %arg4[%mul3A_197] : memref<327936xi32, #tpu.memory_space<hbm>> -> memref<128xi32, #tpu.memory_space<hbm>>
      tpu.wait_dma2 semaphore(%arg18 : memref<!tpu.dma_semaphore, #tpu.memory_space<semaphore_mem>>) src(%dma_wait3A_209 : memref<128xi32, #tpu.memory_space<hbm>>) dst(%arg12 : memref<128xi32, #tpu.memory_space<vmem>>)
      %dma_wait3A_210 = arith.constant 0 : i32
      %dma_wait3A_211 = arith.constant 0 : i32
      %dma_wait3A_212 = tpu.memref_slice %arg2[%dma_wait3A_210, %dma_wait3A_211] : memref<10240x128xf32, #tpu.memory_space<hbm>> -> memref<10240x128xf32, #tpu.memory_space<hbm>>
      tpu.wait_indirect_dma semaphore(%arg19 : memref<!tpu.dma_semaphore, #tpu.memory_space<semaphore_mem>>) src(%dma_wait3A_212 : memref<10240x128xf32, #tpu.memory_space<hbm>>) dst(%arg15 : memref<128x128xf32, #tpu.memory_space<vmem>>)
      %dma_wait3A_213 = arith.constant 0 : i32
      %dma_wait3A_214 = arith.constant 0 : i32
      %dma_wait3A_215 = tpu.memref_slice %arg2[%dma_wait3A_213, %dma_wait3A_214] : memref<10240x128xf32, #tpu.memory_space<hbm>> -> memref<10240x128xf32, #tpu.memory_space<hbm>>
      tpu.wait_indirect_dma semaphore(%arg20 : memref<!tpu.dma_semaphore, #tpu.memory_space<semaphore_mem>>) src(%dma_wait3A_215 : memref<10240x128xf32, #tpu.memory_space<hbm>>) dst(%arg16 : memref<128x128xf32, #tpu.memory_space<vmem>>)
      "tpu.region"() ({
        %run_scoped3A = tpu.sem_alloc : memref<!tpu.dma_semaphore, #tpu.memory_space<semaphore_mem>>
        %dma_start3A_216 = arith.constant 0 : i32
        %dma_start3A_217 = arith.constant 0 : i32
        %dma_start3A_218 = tpu.memref_slice %arg17[%dma_start3A_216, %dma_start3A_217] : memref<10240x128xf32, #tpu.memory_space<vmem_shared>> -> memref<10240x128xf32, #tpu.memory_space<vmem_shared>>
        tpu.enqueue_indirect_dma source(%arg15 : memref<128x128xf32, #tpu.memory_space<vmem>>) target(%dma_start3A_218 : memref<10240x128xf32, #tpu.memory_space<vmem_shared>>) offsets(%arg13 : memref<128xi32, #tpu.memory_space<vmem>>) semaphore(%run_scoped3A : memref<!tpu.dma_semaphore, #tpu.memory_space<semaphore_mem>>) {add = true}
        %dma_wait3A_219 = arith.constant 0 : i32
        %dma_wait3A_220 = arith.constant 0 : i32
        %dma_wait3A_221 = tpu.memref_slice %arg17[%dma_wait3A_219, %dma_wait3A_220] : memref<10240x128xf32, #tpu.memory_space<vmem_shared>> -> memref<10240x128xf32, #tpu.memory_space<vmem_shared>>
        tpu.wait_indirect_dma semaphore(%run_scoped3A : memref<!tpu.dma_semaphore, #tpu.memory_space<semaphore_mem>>) src(%arg15 : memref<128x128xf32, #tpu.memory_space<vmem>>) dst(%dma_wait3A_221 : memref<10240x128xf32, #tpu.memory_space<vmem_shared>>)
        tpu.yield
      }) : () -> ()
      "tpu.region"() ({
        %run_scoped3A = tpu.sem_alloc : memref<!tpu.dma_semaphore, #tpu.memory_space<semaphore_mem>>
        %dma_start3A_216 = arith.constant 0 : i32
        %dma_start3A_217 = arith.constant 0 : i32
        %dma_start3A_218 = tpu.memref_slice %arg17[%dma_start3A_216, %dma_start3A_217] : memref<10240x128xf32, #tpu.memory_space<vmem_shared>> -> memref<10240x128xf32, #tpu.memory_space<vmem_shared>>
        tpu.enqueue_indirect_dma source(%arg16 : memref<128x128xf32, #tpu.memory_space<vmem>>) target(%dma_start3A_218 : memref<10240x128xf32, #tpu.memory_space<vmem_shared>>) offsets(%arg14 : memref<128xi32, #tpu.memory_space<vmem>>) semaphore(%run_scoped3A : memref<!tpu.dma_semaphore, #tpu.memory_space<semaphore_mem>>) {add = true}
        %dma_wait3A_219 = arith.constant 0 : i32
        %dma_wait3A_220 = arith.constant 0 : i32
        %dma_wait3A_221 = tpu.memref_slice %arg17[%dma_wait3A_219, %dma_wait3A_220] : memref<10240x128xf32, #tpu.memory_space<vmem_shared>> -> memref<10240x128xf32, #tpu.memory_space<vmem_shared>>
        tpu.wait_indirect_dma semaphore(%run_scoped3A : memref<!tpu.dma_semaphore, #tpu.memory_space<semaphore_mem>>) src(%arg16 : memref<128x128xf32, #tpu.memory_space<vmem>>) dst(%dma_wait3A_221 : memref<10240x128xf32, #tpu.memory_space<vmem_shared>>)
        tpu.yield
      }) : () -> ()
    }
    %barrier3A_91 = arith.constant 0 : index
    tpu.barrier barrier_id(%barrier3A_91)
    %mul3A_92 = arith.constant 640 : i32
    %mul3A_93 = arith.muli %arg1, %mul3A_92 : i32
    %add3A_94 = arith.constant 0 : i32
    %add3A_95 = arith.addi %mul3A_93, %add3A_94 : i32
    "tpu.region"() ({
      %run_scoped3A = tpu.sem_alloc : memref<!tpu.dma_semaphore, #tpu.memory_space<semaphore_mem>>
      %dma_start3A_127 = arith.constant 0 : i32
      %dma_start3A_128 = tpu.memref_slice %arg17[%add3A_95, %dma_start3A_127] : memref<10240x128xf32, #tpu.memory_space<vmem_shared>> -> memref<128x128xf32, #tpu.memory_space<vmem_shared>>
      %dma_start3A_129 = arith.constant 0 : i32
      %dma_start3A_130 = tpu.memref_slice %arg17[%add3A_95, %dma_start3A_129] : memref<10240x128xf32, #tpu.memory_space<vmem_shared>> -> memref<128x128xf32, #tpu.memory_space<vmem_shared>>
      tpu.enqueue_dma source(%dma_start3A_130 : memref<128x128xf32, #tpu.memory_space<vmem_shared>>) target(%arg15 : memref<128x128xf32, #tpu.memory_space<vmem>>) target_semaphore(%run_scoped3A : memref<!tpu.dma_semaphore, #tpu.memory_space<semaphore_mem>>)
      %dma_wait3A_131 = arith.constant 0 : i32
      %dma_wait3A_132 = tpu.memref_slice %arg17[%add3A_95, %dma_wait3A_131] : memref<10240x128xf32, #tpu.memory_space<vmem_shared>> -> memref<128x128xf32, #tpu.memory_space<vmem_shared>>
      %dma_wait3A_133 = arith.constant 0 : i32
      %dma_wait3A_134 = tpu.memref_slice %arg17[%add3A_95, %dma_wait3A_133] : memref<10240x128xf32, #tpu.memory_space<vmem_shared>> -> memref<128x128xf32, #tpu.memory_space<vmem_shared>>
      tpu.wait_dma2 semaphore(%run_scoped3A : memref<!tpu.dma_semaphore, #tpu.memory_space<semaphore_mem>>) src(%dma_wait3A_134 : memref<128x128xf32, #tpu.memory_space<vmem_shared>>) dst(%arg15 : memref<128x128xf32, #tpu.memory_space<vmem>>)
      tpu.yield
    }) : () -> ()
    %mul3A_96 = arith.constant 10240 : i32
    %mul3A_97 = arith.muli %arg0, %mul3A_96 : i32
    %add3A_98 = arith.addi %mul3A_97, %add3A_95 : i32
    "tpu.region"() ({
      %run_scoped3A = tpu.sem_alloc : memref<!tpu.dma_semaphore, #tpu.memory_space<semaphore_mem>>
      %dma_start3A_127 = arith.constant 0 : i32
      %dma_start3A_128 = tpu.memref_slice %arg6[%add3A_98, %dma_start3A_127] : memref<20480x128xf32, #tpu.memory_space<hbm>> -> memref<128x128xf32, #tpu.memory_space<hbm>>
      %dma_start3A_129 = arith.constant 0 : i32
      %dma_start3A_130 = tpu.memref_slice %arg6[%add3A_98, %dma_start3A_129] : memref<20480x128xf32, #tpu.memory_space<hbm>> -> memref<128x128xf32, #tpu.memory_space<hbm>>
      tpu.enqueue_dma source(%arg15 : memref<128x128xf32, #tpu.memory_space<vmem>>) target(%dma_start3A_130 : memref<128x128xf32, #tpu.memory_space<hbm>>) target_semaphore(%run_scoped3A : memref<!tpu.dma_semaphore, #tpu.memory_space<semaphore_mem>>)
      %dma_wait3A_131 = arith.constant 0 : i32
      %dma_wait3A_132 = tpu.memref_slice %arg6[%add3A_98, %dma_wait3A_131] : memref<20480x128xf32, #tpu.memory_space<hbm>> -> memref<128x128xf32, #tpu.memory_space<hbm>>
      %dma_wait3A_133 = arith.constant 0 : i32
      %dma_wait3A_134 = tpu.memref_slice %arg6[%add3A_98, %dma_wait3A_133] : memref<20480x128xf32, #tpu.memory_space<hbm>> -> memref<128x128xf32, #tpu.memory_space<hbm>>
      tpu.wait_dma2 semaphore(%run_scoped3A : memref<!tpu.dma_semaphore, #tpu.memory_space<semaphore_mem>>) src(%arg15 : memref<128x128xf32, #tpu.memory_space<vmem>>) dst(%dma_wait3A_134 : memref<128x128xf32, #tpu.memory_space<hbm>>)
      tpu.yield
    }) : () -> ()
    %mul3A_99 = arith.constant 640 : i32
    %mul3A_100 = arith.muli %arg1, %mul3A_99 : i32
    %add3A_101 = arith.constant 128 : i32
    %add3A_102 = arith.addi %mul3A_100, %add3A_101 : i32
    "tpu.region"() ({
      %run_scoped3A = tpu.sem_alloc : memref<!tpu.dma_semaphore, #tpu.memory_space<semaphore_mem>>
      %dma_start3A_127 = arith.constant 0 : i32
      %dma_start3A_128 = tpu.memref_slice %arg17[%add3A_102, %dma_start3A_127] : memref<10240x128xf32, #tpu.memory_space<vmem_shared>> -> memref<128x128xf32, #tpu.memory_space<vmem_shared>>
      %dma_start3A_129 = arith.constant 0 : i32
      %dma_start3A_130 = tpu.memref_slice %arg17[%add3A_102, %dma_start3A_129] : memref<10240x128xf32, #tpu.memory_space<vmem_shared>> -> memref<128x128xf32, #tpu.memory_space<vmem_shared>>
      tpu.enqueue_dma source(%dma_start3A_130 : memref<128x128xf32, #tpu.memory_space<vmem_shared>>) target(%arg15 : memref<128x128xf32, #tpu.memory_space<vmem>>) target_semaphore(%run_scoped3A : memref<!tpu.dma_semaphore, #tpu.memory_space<semaphore_mem>>)
      %dma_wait3A_131 = arith.constant 0 : i32
      %dma_wait3A_132 = tpu.memref_slice %arg17[%add3A_102, %dma_wait3A_131] : memref<10240x128xf32, #tpu.memory_space<vmem_shared>> -> memref<128x128xf32, #tpu.memory_space<vmem_shared>>
      %dma_wait3A_133 = arith.constant 0 : i32
      %dma_wait3A_134 = tpu.memref_slice %arg17[%add3A_102, %dma_wait3A_133] : memref<10240x128xf32, #tpu.memory_space<vmem_shared>> -> memref<128x128xf32, #tpu.memory_space<vmem_shared>>
      tpu.wait_dma2 semaphore(%run_scoped3A : memref<!tpu.dma_semaphore, #tpu.memory_space<semaphore_mem>>) src(%dma_wait3A_134 : memref<128x128xf32, #tpu.memory_space<vmem_shared>>) dst(%arg15 : memref<128x128xf32, #tpu.memory_space<vmem>>)
      tpu.yield
    }) : () -> ()
    %mul3A_103 = arith.constant 10240 : i32
    %mul3A_104 = arith.muli %arg0, %mul3A_103 : i32
    %add3A_105 = arith.addi %mul3A_104, %add3A_102 : i32
    "tpu.region"() ({
      %run_scoped3A = tpu.sem_alloc : memref<!tpu.dma_semaphore, #tpu.memory_space<semaphore_mem>>
      %dma_start3A_127 = arith.constant 0 : i32
      %dma_start3A_128 = tpu.memref_slice %arg6[%add3A_105, %dma_start3A_127] : memref<20480x128xf32, #tpu.memory_space<hbm>> -> memref<128x128xf32, #tpu.memory_space<hbm>>
      %dma_start3A_129 = arith.constant 0 : i32
      %dma_start3A_130 = tpu.memref_slice %arg6[%add3A_105, %dma_start3A_129] : memref<20480x128xf32, #tpu.memory_space<hbm>> -> memref<128x128xf32, #tpu.memory_space<hbm>>
      tpu.enqueue_dma source(%arg15 : memref<128x128xf32, #tpu.memory_space<vmem>>) target(%dma_start3A_130 : memref<128x128xf32, #tpu.memory_space<hbm>>) target_semaphore(%run_scoped3A : memref<!tpu.dma_semaphore, #tpu.memory_space<semaphore_mem>>)
      %dma_wait3A_131 = arith.constant 0 : i32
      %dma_wait3A_132 = tpu.memref_slice %arg6[%add3A_105, %dma_wait3A_131] : memref<20480x128xf32, #tpu.memory_space<hbm>> -> memref<128x128xf32, #tpu.memory_space<hbm>>
      %dma_wait3A_133 = arith.constant 0 : i32
      %dma_wait3A_134 = tpu.memref_slice %arg6[%add3A_105, %dma_wait3A_133] : memref<20480x128xf32, #tpu.memory_space<hbm>> -> memref<128x128xf32, #tpu.memory_space<hbm>>
      tpu.wait_dma2 semaphore(%run_scoped3A : memref<!tpu.dma_semaphore, #tpu.memory_space<semaphore_mem>>) src(%arg15 : memref<128x128xf32, #tpu.memory_space<vmem>>) dst(%dma_wait3A_134 : memref<128x128xf32, #tpu.memory_space<hbm>>)
      tpu.yield
    }) : () -> ()
    %mul3A_106 = arith.constant 640 : i32
    %mul3A_107 = arith.muli %arg1, %mul3A_106 : i32
    %add3A_108 = arith.constant 256 : i32
    %add3A_109 = arith.addi %mul3A_107, %add3A_108 : i32
    "tpu.region"() ({
      %run_scoped3A = tpu.sem_alloc : memref<!tpu.dma_semaphore, #tpu.memory_space<semaphore_mem>>
      %dma_start3A_127 = arith.constant 0 : i32
      %dma_start3A_128 = tpu.memref_slice %arg17[%add3A_109, %dma_start3A_127] : memref<10240x128xf32, #tpu.memory_space<vmem_shared>> -> memref<128x128xf32, #tpu.memory_space<vmem_shared>>
      %dma_start3A_129 = arith.constant 0 : i32
      %dma_start3A_130 = tpu.memref_slice %arg17[%add3A_109, %dma_start3A_129] : memref<10240x128xf32, #tpu.memory_space<vmem_shared>> -> memref<128x128xf32, #tpu.memory_space<vmem_shared>>
      tpu.enqueue_dma source(%dma_start3A_130 : memref<128x128xf32, #tpu.memory_space<vmem_shared>>) target(%arg15 : memref<128x128xf32, #tpu.memory_space<vmem>>) target_semaphore(%run_scoped3A : memref<!tpu.dma_semaphore, #tpu.memory_space<semaphore_mem>>)
      %dma_wait3A_131 = arith.constant 0 : i32
      %dma_wait3A_132 = tpu.memref_slice %arg17[%add3A_109, %dma_wait3A_131] : memref<10240x128xf32, #tpu.memory_space<vmem_shared>> -> memref<128x128xf32, #tpu.memory_space<vmem_shared>>
      %dma_wait3A_133 = arith.constant 0 : i32
      %dma_wait3A_134 = tpu.memref_slice %arg17[%add3A_109, %dma_wait3A_133] : memref<10240x128xf32, #tpu.memory_space<vmem_shared>> -> memref<128x128xf32, #tpu.memory_space<vmem_shared>>
      tpu.wait_dma2 semaphore(%run_scoped3A : memref<!tpu.dma_semaphore, #tpu.memory_space<semaphore_mem>>) src(%dma_wait3A_134 : memref<128x128xf32, #tpu.memory_space<vmem_shared>>) dst(%arg15 : memref<128x128xf32, #tpu.memory_space<vmem>>)
      tpu.yield
    }) : () -> ()
    %mul3A_110 = arith.constant 10240 : i32
    %mul3A_111 = arith.muli %arg0, %mul3A_110 : i32
    %add3A_112 = arith.addi %mul3A_111, %add3A_109 : i32
    "tpu.region"() ({
      %run_scoped3A = tpu.sem_alloc : memref<!tpu.dma_semaphore, #tpu.memory_space<semaphore_mem>>
      %dma_start3A_127 = arith.constant 0 : i32
      %dma_start3A_128 = tpu.memref_slice %arg6[%add3A_112, %dma_start3A_127] : memref<20480x128xf32, #tpu.memory_space<hbm>> -> memref<128x128xf32, #tpu.memory_space<hbm>>
      %dma_start3A_129 = arith.constant 0 : i32
      %dma_start3A_130 = tpu.memref_slice %arg6[%add3A_112, %dma_start3A_129] : memref<20480x128xf32, #tpu.memory_space<hbm>> -> memref<128x128xf32, #tpu.memory_space<hbm>>
      tpu.enqueue_dma source(%arg15 : memref<128x128xf32, #tpu.memory_space<vmem>>) target(%dma_start3A_130 : memref<128x128xf32, #tpu.memory_space<hbm>>) target_semaphore(%run_scoped3A : memref<!tpu.dma_semaphore, #tpu.memory_space<semaphore_mem>>)
      %dma_wait3A_131 = arith.constant 0 : i32
      %dma_wait3A_132 = tpu.memref_slice %arg6[%add3A_112, %dma_wait3A_131] : memref<20480x128xf32, #tpu.memory_space<hbm>> -> memref<128x128xf32, #tpu.memory_space<hbm>>
      %dma_wait3A_133 = arith.constant 0 : i32
      %dma_wait3A_134 = tpu.memref_slice %arg6[%add3A_112, %dma_wait3A_133] : memref<20480x128xf32, #tpu.memory_space<hbm>> -> memref<128x128xf32, #tpu.memory_space<hbm>>
      tpu.wait_dma2 semaphore(%run_scoped3A : memref<!tpu.dma_semaphore, #tpu.memory_space<semaphore_mem>>) src(%arg15 : memref<128x128xf32, #tpu.memory_space<vmem>>) dst(%dma_wait3A_134 : memref<128x128xf32, #tpu.memory_space<hbm>>)
      tpu.yield
    }) : () -> ()
    %mul3A_113 = arith.constant 640 : i32
    %mul3A_114 = arith.muli %arg1, %mul3A_113 : i32
    %add3A_115 = arith.constant 384 : i32
    %add3A_116 = arith.addi %mul3A_114, %add3A_115 : i32
    "tpu.region"() ({
      %run_scoped3A = tpu.sem_alloc : memref<!tpu.dma_semaphore, #tpu.memory_space<semaphore_mem>>
      %dma_start3A_127 = arith.constant 0 : i32
      %dma_start3A_128 = tpu.memref_slice %arg17[%add3A_116, %dma_start3A_127] : memref<10240x128xf32, #tpu.memory_space<vmem_shared>> -> memref<128x128xf32, #tpu.memory_space<vmem_shared>>
      %dma_start3A_129 = arith.constant 0 : i32
      %dma_start3A_130 = tpu.memref_slice %arg17[%add3A_116, %dma_start3A_129] : memref<10240x128xf32, #tpu.memory_space<vmem_shared>> -> memref<128x128xf32, #tpu.memory_space<vmem_shared>>
      tpu.enqueue_dma source(%dma_start3A_130 : memref<128x128xf32, #tpu.memory_space<vmem_shared>>) target(%arg15 : memref<128x128xf32, #tpu.memory_space<vmem>>) target_semaphore(%run_scoped3A : memref<!tpu.dma_semaphore, #tpu.memory_space<semaphore_mem>>)
      %dma_wait3A_131 = arith.constant 0 : i32
      %dma_wait3A_132 = tpu.memref_slice %arg17[%add3A_116, %dma_wait3A_131] : memref<10240x128xf32, #tpu.memory_space<vmem_shared>> -> memref<128x128xf32, #tpu.memory_space<vmem_shared>>
      %dma_wait3A_133 = arith.constant 0 : i32
      %dma_wait3A_134 = tpu.memref_slice %arg17[%add3A_116, %dma_wait3A_133] : memref<10240x128xf32, #tpu.memory_space<vmem_shared>> -> memref<128x128xf32, #tpu.memory_space<vmem_shared>>
      tpu.wait_dma2 semaphore(%run_scoped3A : memref<!tpu.dma_semaphore, #tpu.memory_space<semaphore_mem>>) src(%dma_wait3A_134 : memref<128x128xf32, #tpu.memory_space<vmem_shared>>) dst(%arg15 : memref<128x128xf32, #tpu.memory_space<vmem>>)
      tpu.yield
    }) : () -> ()
    %mul3A_117 = arith.constant 10240 : i32
    %mul3A_118 = arith.muli %arg0, %mul3A_117 : i32
    %add3A_119 = arith.addi %mul3A_118, %add3A_116 : i32
    "tpu.region"() ({
      %run_scoped3A = tpu.sem_alloc : memref<!tpu.dma_semaphore, #tpu.memory_space<semaphore_mem>>
      %dma_start3A_127 = arith.constant 0 : i32
      %dma_start3A_128 = tpu.memref_slice %arg6[%add3A_119, %dma_start3A_127] : memref<20480x128xf32, #tpu.memory_space<hbm>> -> memref<128x128xf32, #tpu.memory_space<hbm>>
      %dma_start3A_129 = arith.constant 0 : i32
      %dma_start3A_130 = tpu.memref_slice %arg6[%add3A_119, %dma_start3A_129] : memref<20480x128xf32, #tpu.memory_space<hbm>> -> memref<128x128xf32, #tpu.memory_space<hbm>>
      tpu.enqueue_dma source(%arg15 : memref<128x128xf32, #tpu.memory_space<vmem>>) target(%dma_start3A_130 : memref<128x128xf32, #tpu.memory_space<hbm>>) target_semaphore(%run_scoped3A : memref<!tpu.dma_semaphore, #tpu.memory_space<semaphore_mem>>)
      %dma_wait3A_131 = arith.constant 0 : i32
      %dma_wait3A_132 = tpu.memref_slice %arg6[%add3A_119, %dma_wait3A_131] : memref<20480x128xf32, #tpu.memory_space<hbm>> -> memref<128x128xf32, #tpu.memory_space<hbm>>
      %dma_wait3A_133 = arith.constant 0 : i32
      %dma_wait3A_134 = tpu.memref_slice %arg6[%add3A_119, %dma_wait3A_133] : memref<20480x128xf32, #tpu.memory_space<hbm>> -> memref<128x128xf32, #tpu.memory_space<hbm>>
      tpu.wait_dma2 semaphore(%run_scoped3A : memref<!tpu.dma_semaphore, #tpu.memory_space<semaphore_mem>>) src(%arg15 : memref<128x128xf32, #tpu.memory_space<vmem>>) dst(%dma_wait3A_134 : memref<128x128xf32, #tpu.memory_space<hbm>>)
      tpu.yield
    }) : () -> ()
    %mul3A_120 = arith.constant 640 : i32
    %mul3A_121 = arith.muli %arg1, %mul3A_120 : i32
    %add3A_122 = arith.constant 512 : i32
    %add3A_123 = arith.addi %mul3A_121, %add3A_122 : i32
    "tpu.region"() ({
      %run_scoped3A = tpu.sem_alloc : memref<!tpu.dma_semaphore, #tpu.memory_space<semaphore_mem>>
      %dma_start3A_127 = arith.constant 0 : i32
      %dma_start3A_128 = tpu.memref_slice %arg17[%add3A_123, %dma_start3A_127] : memref<10240x128xf32, #tpu.memory_space<vmem_shared>> -> memref<128x128xf32, #tpu.memory_space<vmem_shared>>
      %dma_start3A_129 = arith.constant 0 : i32
      %dma_start3A_130 = tpu.memref_slice %arg17[%add3A_123, %dma_start3A_129] : memref<10240x128xf32, #tpu.memory_space<vmem_shared>> -> memref<128x128xf32, #tpu.memory_space<vmem_shared>>
      tpu.enqueue_dma source(%dma_start3A_130 : memref<128x128xf32, #tpu.memory_space<vmem_shared>>) target(%arg15 : memref<128x128xf32, #tpu.memory_space<vmem>>) target_semaphore(%run_scoped3A : memref<!tpu.dma_semaphore, #tpu.memory_space<semaphore_mem>>)
      %dma_wait3A_131 = arith.constant 0 : i32
      %dma_wait3A_132 = tpu.memref_slice %arg17[%add3A_123, %dma_wait3A_131] : memref<10240x128xf32, #tpu.memory_space<vmem_shared>> -> memref<128x128xf32, #tpu.memory_space<vmem_shared>>
      %dma_wait3A_133 = arith.constant 0 : i32
      %dma_wait3A_134 = tpu.memref_slice %arg17[%add3A_123, %dma_wait3A_133] : memref<10240x128xf32, #tpu.memory_space<vmem_shared>> -> memref<128x128xf32, #tpu.memory_space<vmem_shared>>
      tpu.wait_dma2 semaphore(%run_scoped3A : memref<!tpu.dma_semaphore, #tpu.memory_space<semaphore_mem>>) src(%dma_wait3A_134 : memref<128x128xf32, #tpu.memory_space<vmem_shared>>) dst(%arg15 : memref<128x128xf32, #tpu.memory_space<vmem>>)
      tpu.yield
    }) : () -> ()
    %mul3A_124 = arith.constant 10240 : i32
    %mul3A_125 = arith.muli %arg0, %mul3A_124 : i32
    %add3A_126 = arith.addi %mul3A_125, %add3A_123 : i32
    "tpu.region"() ({
      %run_scoped3A = tpu.sem_alloc : memref<!tpu.dma_semaphore, #tpu.memory_space<semaphore_mem>>
      %dma_start3A_127 = arith.constant 0 : i32
      %dma_start3A_128 = tpu.memref_slice %arg6[%add3A_126, %dma_start3A_127] : memref<20480x128xf32, #tpu.memory_space<hbm>> -> memref<128x128xf32, #tpu.memory_space<hbm>>
      %dma_start3A_129 = arith.constant 0 : i32
      %dma_start3A_130 = tpu.memref_slice %arg6[%add3A_126, %dma_start3A_129] : memref<20480x128xf32, #tpu.memory_space<hbm>> -> memref<128x128xf32, #tpu.memory_space<hbm>>
      tpu.enqueue_dma source(%arg15 : memref<128x128xf32, #tpu.memory_space<vmem>>) target(%dma_start3A_130 : memref<128x128xf32, #tpu.memory_space<hbm>>) target_semaphore(%run_scoped3A : memref<!tpu.dma_semaphore, #tpu.memory_space<semaphore_mem>>)
      %dma_wait3A_131 = arith.constant 0 : i32
      %dma_wait3A_132 = tpu.memref_slice %arg6[%add3A_126, %dma_wait3A_131] : memref<20480x128xf32, #tpu.memory_space<hbm>> -> memref<128x128xf32, #tpu.memory_space<hbm>>
      %dma_wait3A_133 = arith.constant 0 : i32
      %dma_wait3A_134 = tpu.memref_slice %arg6[%add3A_126, %dma_wait3A_133] : memref<20480x128xf32, #tpu.memory_space<hbm>> -> memref<128x128xf32, #tpu.memory_space<hbm>>
      tpu.wait_dma2 semaphore(%run_scoped3A : memref<!tpu.dma_semaphore, #tpu.memory_space<semaphore_mem>>) src(%arg15 : memref<128x128xf32, #tpu.memory_space<vmem>>) dst(%dma_wait3A_134 : memref<128x128xf32, #tpu.memory_space<hbm>>)
      tpu.yield
    }) : () -> ()
    return
  }
}

#map = affine_map<(d0, d1) -> (0)>
module attributes {stable_mosaic.version = 14 : i64} {
  func.func @k(%arg0: i32, %arg1: i32, %arg2: memref<327936xi32, #tpu.memory_space<hbm>>, %arg3: memref<327936xi32, #tpu.memory_space<hbm>>, %arg4: memref<128xf32, #tpu.memory_space<hbm>>, %arg5: memref<640xf32, #tpu.memory_space<hbm>>, %arg6: memref<40960xf32, #tpu.memory_space<hbm>>, %arg7: memref<640xf32, #tpu.memory_space<vmem>>, %arg8: memref<128xf32, #tpu.memory_space<vmem>>, %arg9: memref<10240xi32, #tpu.memory_space<vmem>>, %arg10: memref<10240xi32, #tpu.memory_space<vmem>>, %arg11: memref<10240xf32, #tpu.memory_space<vmem_shared>>, %arg12: memref<10240xf32, #tpu.memory_space<vmem_shared>>, %arg13: memref<!tpu.dma_semaphore, #tpu.memory_space<semaphore_mem>>, %arg14: memref<!tpu.dma_semaphore, #tpu.memory_space<semaphore_mem>>) attributes {dimension_semantics = [#tpu.dimension_semantics<core_parallel>, #tpu.dimension_semantics<subcore_parallel>], iteration_bounds = array<i64: 2, 16>, scalar_prefetch = 0 : i64, scratch_operands = 8 : i64, tpu.core_type = #tpu.core_type<sc_vector_subcore>, window_params = [{transform_indices = #map}, {transform_indices = #map}, {transform_indices = #map}, {transform_indices = #map}, {transform_indices = #map}]} {
    %mul3A = arith.constant 2 : i32
    %mul3A_0 = arith.muli %arg1, %mul3A : i32
    %add3A = arith.addi %mul3A_0, %arg0 : i32
    %mul3A_1 = arith.constant 80 : i32
    %mul3A_2 = arith.muli %add3A, %mul3A_1 : i32
    %mul3A_3 = arith.constant 128 : i32
    %mul3A_4 = arith.muli %mul3A_2, %mul3A_3 : i32
    "tpu.region"() ({
      %run_scoped3A = tpu.sem_alloc : memref<!tpu.dma_semaphore, #tpu.memory_space<semaphore_mem>>
      tpu.enqueue_dma source(%arg5 : memref<640xf32, #tpu.memory_space<hbm>>) target(%arg7 : memref<640xf32, #tpu.memory_space<vmem>>) target_semaphore(%run_scoped3A : memref<!tpu.dma_semaphore, #tpu.memory_space<semaphore_mem>>)
      tpu.wait_dma2 semaphore(%run_scoped3A : memref<!tpu.dma_semaphore, #tpu.memory_space<semaphore_mem>>) src(%arg5 : memref<640xf32, #tpu.memory_space<hbm>>) dst(%arg7 : memref<640xf32, #tpu.memory_space<vmem>>)
      tpu.yield
    }) : () -> ()
    %mul3A_5 = arith.constant 640 : i32
    %mul3A_6 = arith.muli %arg1, %mul3A_5 : i32
    "tpu.region"() ({
      %run_scoped3A = tpu.sem_alloc : memref<!tpu.dma_semaphore, #tpu.memory_space<semaphore_mem>>
      %dma_start3A = tpu.memref_slice %arg11[%mul3A_6] : memref<10240xf32, #tpu.memory_space<vmem_shared>> -> memref<640xf32, #tpu.memory_space<vmem_shared>>
      %dma_start3A_34 = tpu.memref_slice %arg11[%mul3A_6] : memref<10240xf32, #tpu.memory_space<vmem_shared>> -> memref<640xf32, #tpu.memory_space<vmem_shared>>
      tpu.enqueue_dma source(%arg7 : memref<640xf32, #tpu.memory_space<vmem>>) target(%dma_start3A_34 : memref<640xf32, #tpu.memory_space<vmem_shared>>) target_semaphore(%run_scoped3A : memref<!tpu.dma_semaphore, #tpu.memory_space<semaphore_mem>>)
      %dma_wait3A = tpu.memref_slice %arg11[%mul3A_6] : memref<10240xf32, #tpu.memory_space<vmem_shared>> -> memref<640xf32, #tpu.memory_space<vmem_shared>>
      %dma_wait3A_35 = tpu.memref_slice %arg11[%mul3A_6] : memref<10240xf32, #tpu.memory_space<vmem_shared>> -> memref<640xf32, #tpu.memory_space<vmem_shared>>
      tpu.wait_dma2 semaphore(%run_scoped3A : memref<!tpu.dma_semaphore, #tpu.memory_space<semaphore_mem>>) src(%arg7 : memref<640xf32, #tpu.memory_space<vmem>>) dst(%dma_wait3A_35 : memref<640xf32, #tpu.memory_space<vmem_shared>>)
      tpu.yield
    }) : () -> ()
    %mul3A_7 = arith.constant 640 : i32
    %mul3A_8 = arith.muli %arg1, %mul3A_7 : i32
    "tpu.region"() ({
      %run_scoped3A = tpu.sem_alloc : memref<!tpu.dma_semaphore, #tpu.memory_space<semaphore_mem>>
      %dma_start3A = tpu.memref_slice %arg12[%mul3A_8] : memref<10240xf32, #tpu.memory_space<vmem_shared>> -> memref<640xf32, #tpu.memory_space<vmem_shared>>
      %dma_start3A_34 = tpu.memref_slice %arg12[%mul3A_8] : memref<10240xf32, #tpu.memory_space<vmem_shared>> -> memref<640xf32, #tpu.memory_space<vmem_shared>>
      tpu.enqueue_dma source(%arg7 : memref<640xf32, #tpu.memory_space<vmem>>) target(%dma_start3A_34 : memref<640xf32, #tpu.memory_space<vmem_shared>>) target_semaphore(%run_scoped3A : memref<!tpu.dma_semaphore, #tpu.memory_space<semaphore_mem>>)
      %dma_wait3A = tpu.memref_slice %arg12[%mul3A_8] : memref<10240xf32, #tpu.memory_space<vmem_shared>> -> memref<640xf32, #tpu.memory_space<vmem_shared>>
      %dma_wait3A_35 = tpu.memref_slice %arg12[%mul3A_8] : memref<10240xf32, #tpu.memory_space<vmem_shared>> -> memref<640xf32, #tpu.memory_space<vmem_shared>>
      tpu.wait_dma2 semaphore(%run_scoped3A : memref<!tpu.dma_semaphore, #tpu.memory_space<semaphore_mem>>) src(%arg7 : memref<640xf32, #tpu.memory_space<vmem>>) dst(%dma_wait3A_35 : memref<640xf32, #tpu.memory_space<vmem_shared>>)
      tpu.yield
    }) : () -> ()
    "tpu.region"() ({
      %run_scoped3A = tpu.sem_alloc : memref<!tpu.dma_semaphore, #tpu.memory_space<semaphore_mem>>
      tpu.enqueue_dma source(%arg4 : memref<128xf32, #tpu.memory_space<hbm>>) target(%arg8 : memref<128xf32, #tpu.memory_space<vmem>>) target_semaphore(%run_scoped3A : memref<!tpu.dma_semaphore, #tpu.memory_space<semaphore_mem>>)
      tpu.wait_dma2 semaphore(%run_scoped3A : memref<!tpu.dma_semaphore, #tpu.memory_space<semaphore_mem>>) src(%arg4 : memref<128xf32, #tpu.memory_space<hbm>>) dst(%arg8 : memref<128xf32, #tpu.memory_space<vmem>>)
      tpu.yield
    }) : () -> ()
    "tpu.region"() ({
      %run_scoped3A = tpu.sem_alloc : memref<!tpu.dma_semaphore, #tpu.memory_space<semaphore_mem>>
      %dma_start3A = tpu.memref_slice %arg2[%mul3A_4] : memref<327936xi32, #tpu.memory_space<hbm>> -> memref<10240xi32, #tpu.memory_space<hbm>>
      %dma_start3A_34 = tpu.memref_slice %arg2[%mul3A_4] : memref<327936xi32, #tpu.memory_space<hbm>> -> memref<10240xi32, #tpu.memory_space<hbm>>
      tpu.enqueue_dma source(%dma_start3A_34 : memref<10240xi32, #tpu.memory_space<hbm>>) target(%arg9 : memref<10240xi32, #tpu.memory_space<vmem>>) target_semaphore(%run_scoped3A : memref<!tpu.dma_semaphore, #tpu.memory_space<semaphore_mem>>)
      %dma_wait3A = tpu.memref_slice %arg2[%mul3A_4] : memref<327936xi32, #tpu.memory_space<hbm>> -> memref<10240xi32, #tpu.memory_space<hbm>>
      %dma_wait3A_35 = tpu.memref_slice %arg2[%mul3A_4] : memref<327936xi32, #tpu.memory_space<hbm>> -> memref<10240xi32, #tpu.memory_space<hbm>>
      tpu.wait_dma2 semaphore(%run_scoped3A : memref<!tpu.dma_semaphore, #tpu.memory_space<semaphore_mem>>) src(%dma_wait3A_35 : memref<10240xi32, #tpu.memory_space<hbm>>) dst(%arg9 : memref<10240xi32, #tpu.memory_space<vmem>>)
      tpu.yield
    }) : () -> ()
    "tpu.region"() ({
      %run_scoped3A = tpu.sem_alloc : memref<!tpu.dma_semaphore, #tpu.memory_space<semaphore_mem>>
      %dma_start3A = tpu.memref_slice %arg3[%mul3A_4] : memref<327936xi32, #tpu.memory_space<hbm>> -> memref<10240xi32, #tpu.memory_space<hbm>>
      %dma_start3A_34 = tpu.memref_slice %arg3[%mul3A_4] : memref<327936xi32, #tpu.memory_space<hbm>> -> memref<10240xi32, #tpu.memory_space<hbm>>
      tpu.enqueue_dma source(%dma_start3A_34 : memref<10240xi32, #tpu.memory_space<hbm>>) target(%arg10 : memref<10240xi32, #tpu.memory_space<vmem>>) target_semaphore(%run_scoped3A : memref<!tpu.dma_semaphore, #tpu.memory_space<semaphore_mem>>)
      %dma_wait3A = tpu.memref_slice %arg3[%mul3A_4] : memref<327936xi32, #tpu.memory_space<hbm>> -> memref<10240xi32, #tpu.memory_space<hbm>>
      %dma_wait3A_35 = tpu.memref_slice %arg3[%mul3A_4] : memref<327936xi32, #tpu.memory_space<hbm>> -> memref<10240xi32, #tpu.memory_space<hbm>>
      tpu.wait_dma2 semaphore(%run_scoped3A : memref<!tpu.dma_semaphore, #tpu.memory_space<semaphore_mem>>) src(%dma_wait3A_35 : memref<10240xi32, #tpu.memory_space<hbm>>) dst(%arg10 : memref<10240xi32, #tpu.memory_space<vmem>>)
      tpu.yield
    }) : () -> ()
    %barrier3A = arith.constant 0 : index
    tpu.barrier barrier_id(%barrier3A)
    %scan3A = arith.constant 0 : i32
    %scan3A_9 = arith.constant 80 : i32
    %scan3A_10 = arith.addi %scan3A, %scan3A_9 : i32
    %scan3A_11 = arith.constant 1 : i32
    scf.for %scan3A_34 = %scan3A to %scan3A_10 step %scan3A_11  : i32 {
      %mul3A_35 = arith.constant 1 : i32
      %mul3A_36 = arith.muli %scan3A_34, %mul3A_35 : i32
      %add3A_37 = arith.constant 0 : i32
      %add3A_38 = arith.addi %add3A_37, %mul3A_36 : i32
      %mul3A_39 = arith.constant 128 : i32
      %mul3A_40 = arith.muli %add3A_38, %mul3A_39 : i32
      %dma_start3A = tpu.memref_slice %arg9[%mul3A_40] : memref<10240xi32, #tpu.memory_space<vmem>> -> memref<128xi32, #tpu.memory_space<vmem>>
      %dma_start3A_41 = arith.constant 0 : i32
      %dma_start3A_42 = tpu.memref_slice %arg11[%dma_start3A_41] : memref<10240xf32, #tpu.memory_space<vmem_shared>> -> memref<10240xf32, #tpu.memory_space<vmem_shared>>
      tpu.enqueue_indirect_dma source(%arg8 : memref<128xf32, #tpu.memory_space<vmem>>) target(%dma_start3A_42 : memref<10240xf32, #tpu.memory_space<vmem_shared>>) offsets(%dma_start3A : memref<128xi32, #tpu.memory_space<vmem>>) semaphore(%arg13 : memref<!tpu.dma_semaphore, #tpu.memory_space<semaphore_mem>>) {add = true}
      %mul3A_43 = arith.constant 128 : i32
      %mul3A_44 = arith.muli %add3A_38, %mul3A_43 : i32
      %dma_start3A_45 = tpu.memref_slice %arg10[%mul3A_44] : memref<10240xi32, #tpu.memory_space<vmem>> -> memref<128xi32, #tpu.memory_space<vmem>>
      %dma_start3A_46 = arith.constant 0 : i32
      %dma_start3A_47 = tpu.memref_slice %arg12[%dma_start3A_46] : memref<10240xf32, #tpu.memory_space<vmem_shared>> -> memref<10240xf32, #tpu.memory_space<vmem_shared>>
      tpu.enqueue_indirect_dma source(%arg8 : memref<128xf32, #tpu.memory_space<vmem>>) target(%dma_start3A_47 : memref<10240xf32, #tpu.memory_space<vmem_shared>>) offsets(%dma_start3A_45 : memref<128xi32, #tpu.memory_space<vmem>>) semaphore(%arg14 : memref<!tpu.dma_semaphore, #tpu.memory_space<semaphore_mem>>) {add = true}
      %dma_wait3A = tpu.memref_slice %arg9[%mul3A_40] : memref<10240xi32, #tpu.memory_space<vmem>> -> memref<128xi32, #tpu.memory_space<vmem>>
      %dma_wait3A_48 = arith.constant 0 : i32
      %dma_wait3A_49 = tpu.memref_slice %arg11[%dma_wait3A_48] : memref<10240xf32, #tpu.memory_space<vmem_shared>> -> memref<10240xf32, #tpu.memory_space<vmem_shared>>
      tpu.wait_indirect_dma semaphore(%arg13 : memref<!tpu.dma_semaphore, #tpu.memory_space<semaphore_mem>>) src(%arg8 : memref<128xf32, #tpu.memory_space<vmem>>) dst(%dma_wait3A_49 : memref<10240xf32, #tpu.memory_space<vmem_shared>>)
      %dma_wait3A_50 = tpu.memref_slice %arg10[%mul3A_44] : memref<10240xi32, #tpu.memory_space<vmem>> -> memref<128xi32, #tpu.memory_space<vmem>>
      %dma_wait3A_51 = arith.constant 0 : i32
      %dma_wait3A_52 = tpu.memref_slice %arg12[%dma_wait3A_51] : memref<10240xf32, #tpu.memory_space<vmem_shared>> -> memref<10240xf32, #tpu.memory_space<vmem_shared>>
      tpu.wait_indirect_dma semaphore(%arg14 : memref<!tpu.dma_semaphore, #tpu.memory_space<semaphore_mem>>) src(%arg8 : memref<128xf32, #tpu.memory_space<vmem>>) dst(%dma_wait3A_52 : memref<10240xf32, #tpu.memory_space<vmem_shared>>)
    }
    %scan3A_12 = arith.constant 80 : i32
    %barrier3A_13 = arith.constant 0 : index
    tpu.barrier barrier_id(%barrier3A_13)
    %mul3A_14 = arith.constant 640 : i32
    %mul3A_15 = arith.muli %arg1, %mul3A_14 : i32
    "tpu.region"() ({
      %run_scoped3A = tpu.sem_alloc : memref<!tpu.dma_semaphore, #tpu.memory_space<semaphore_mem>>
      %dma_start3A = tpu.memref_slice %arg11[%mul3A_15] : memref<10240xf32, #tpu.memory_space<vmem_shared>> -> memref<640xf32, #tpu.memory_space<vmem_shared>>
      %dma_start3A_34 = tpu.memref_slice %arg11[%mul3A_15] : memref<10240xf32, #tpu.memory_space<vmem_shared>> -> memref<640xf32, #tpu.memory_space<vmem_shared>>
      tpu.enqueue_dma source(%dma_start3A_34 : memref<640xf32, #tpu.memory_space<vmem_shared>>) target(%arg7 : memref<640xf32, #tpu.memory_space<vmem>>) target_semaphore(%run_scoped3A : memref<!tpu.dma_semaphore, #tpu.memory_space<semaphore_mem>>)
      %dma_wait3A = tpu.memref_slice %arg11[%mul3A_15] : memref<10240xf32, #tpu.memory_space<vmem_shared>> -> memref<640xf32, #tpu.memory_space<vmem_shared>>
      %dma_wait3A_35 = tpu.memref_slice %arg11[%mul3A_15] : memref<10240xf32, #tpu.memory_space<vmem_shared>> -> memref<640xf32, #tpu.memory_space<vmem_shared>>
      tpu.wait_dma2 semaphore(%run_scoped3A : memref<!tpu.dma_semaphore, #tpu.memory_space<semaphore_mem>>) src(%dma_wait3A_35 : memref<640xf32, #tpu.memory_space<vmem_shared>>) dst(%arg7 : memref<640xf32, #tpu.memory_space<vmem>>)
      tpu.yield
    }) : () -> ()
    %mul3A_16 = arith.constant 2 : i32
    %mul3A_17 = arith.muli %arg0, %mul3A_16 : i32
    %mul3A_18 = arith.constant 10240 : i32
    %mul3A_19 = arith.muli %mul3A_17, %mul3A_18 : i32
    %mul3A_20 = arith.constant 640 : i32
    %mul3A_21 = arith.muli %arg1, %mul3A_20 : i32
    %add3A_22 = arith.addi %mul3A_19, %mul3A_21 : i32
    "tpu.region"() ({
      %run_scoped3A = tpu.sem_alloc : memref<!tpu.dma_semaphore, #tpu.memory_space<semaphore_mem>>
      %dma_start3A = tpu.memref_slice %arg6[%add3A_22] : memref<40960xf32, #tpu.memory_space<hbm>> -> memref<640xf32, #tpu.memory_space<hbm>>
      %dma_start3A_34 = tpu.memref_slice %arg6[%add3A_22] : memref<40960xf32, #tpu.memory_space<hbm>> -> memref<640xf32, #tpu.memory_space<hbm>>
      tpu.enqueue_dma source(%arg7 : memref<640xf32, #tpu.memory_space<vmem>>) target(%dma_start3A_34 : memref<640xf32, #tpu.memory_space<hbm>>) target_semaphore(%run_scoped3A : memref<!tpu.dma_semaphore, #tpu.memory_space<semaphore_mem>>)
      %dma_wait3A = tpu.memref_slice %arg6[%add3A_22] : memref<40960xf32, #tpu.memory_space<hbm>> -> memref<640xf32, #tpu.memory_space<hbm>>
      %dma_wait3A_35 = tpu.memref_slice %arg6[%add3A_22] : memref<40960xf32, #tpu.memory_space<hbm>> -> memref<640xf32, #tpu.memory_space<hbm>>
      tpu.wait_dma2 semaphore(%run_scoped3A : memref<!tpu.dma_semaphore, #tpu.memory_space<semaphore_mem>>) src(%arg7 : memref<640xf32, #tpu.memory_space<vmem>>) dst(%dma_wait3A_35 : memref<640xf32, #tpu.memory_space<hbm>>)
      tpu.yield
    }) : () -> ()
    %mul3A_23 = arith.constant 640 : i32
    %mul3A_24 = arith.muli %arg1, %mul3A_23 : i32
    "tpu.region"() ({
      %run_scoped3A = tpu.sem_alloc : memref<!tpu.dma_semaphore, #tpu.memory_space<semaphore_mem>>
      %dma_start3A = tpu.memref_slice %arg12[%mul3A_24] : memref<10240xf32, #tpu.memory_space<vmem_shared>> -> memref<640xf32, #tpu.memory_space<vmem_shared>>
      %dma_start3A_34 = tpu.memref_slice %arg12[%mul3A_24] : memref<10240xf32, #tpu.memory_space<vmem_shared>> -> memref<640xf32, #tpu.memory_space<vmem_shared>>
      tpu.enqueue_dma source(%dma_start3A_34 : memref<640xf32, #tpu.memory_space<vmem_shared>>) target(%arg7 : memref<640xf32, #tpu.memory_space<vmem>>) target_semaphore(%run_scoped3A : memref<!tpu.dma_semaphore, #tpu.memory_space<semaphore_mem>>)
      %dma_wait3A = tpu.memref_slice %arg12[%mul3A_24] : memref<10240xf32, #tpu.memory_space<vmem_shared>> -> memref<640xf32, #tpu.memory_space<vmem_shared>>
      %dma_wait3A_35 = tpu.memref_slice %arg12[%mul3A_24] : memref<10240xf32, #tpu.memory_space<vmem_shared>> -> memref<640xf32, #tpu.memory_space<vmem_shared>>
      tpu.wait_dma2 semaphore(%run_scoped3A : memref<!tpu.dma_semaphore, #tpu.memory_space<semaphore_mem>>) src(%dma_wait3A_35 : memref<640xf32, #tpu.memory_space<vmem_shared>>) dst(%arg7 : memref<640xf32, #tpu.memory_space<vmem>>)
      tpu.yield
    }) : () -> ()
    %mul3A_25 = arith.constant 2 : i32
    %mul3A_26 = arith.muli %arg0, %mul3A_25 : i32
    %add3A_27 = arith.constant 1 : i32
    %add3A_28 = arith.addi %mul3A_26, %add3A_27 : i32
    %mul3A_29 = arith.constant 10240 : i32
    %mul3A_30 = arith.muli %add3A_28, %mul3A_29 : i32
    %mul3A_31 = arith.constant 640 : i32
    %mul3A_32 = arith.muli %arg1, %mul3A_31 : i32
    %add3A_33 = arith.addi %mul3A_30, %mul3A_32 : i32
    "tpu.region"() ({
      %run_scoped3A = tpu.sem_alloc : memref<!tpu.dma_semaphore, #tpu.memory_space<semaphore_mem>>
      %dma_start3A = tpu.memref_slice %arg6[%add3A_33] : memref<40960xf32, #tpu.memory_space<hbm>> -> memref<640xf32, #tpu.memory_space<hbm>>
      %dma_start3A_34 = tpu.memref_slice %arg6[%add3A_33] : memref<40960xf32, #tpu.memory_space<hbm>> -> memref<640xf32, #tpu.memory_space<hbm>>
      tpu.enqueue_dma source(%arg7 : memref<640xf32, #tpu.memory_space<vmem>>) target(%dma_start3A_34 : memref<640xf32, #tpu.memory_space<hbm>>) target_semaphore(%run_scoped3A : memref<!tpu.dma_semaphore, #tpu.memory_space<semaphore_mem>>)
      %dma_wait3A = tpu.memref_slice %arg6[%add3A_33] : memref<40960xf32, #tpu.memory_space<hbm>> -> memref<640xf32, #tpu.memory_space<hbm>>
      %dma_wait3A_35 = tpu.memref_slice %arg6[%add3A_33] : memref<40960xf32, #tpu.memory_space<hbm>> -> memref<640xf32, #tpu.memory_space<hbm>>
      tpu.wait_dma2 semaphore(%run_scoped3A : memref<!tpu.dma_semaphore, #tpu.memory_space<semaphore_mem>>) src(%arg7 : memref<640xf32, #tpu.memory_space<vmem>>) dst(%dma_wait3A_35 : memref<640xf32, #tpu.memory_space<hbm>>)
      tpu.yield
    }) : () -> ()
    return
  }
}

module attributes {stable_mosaic.version = 14 : i64} {
  func.func @_norms_body(%arg0: memref<2x2x80x128xf32, #tpu.memory_space<vmem>>, %arg1: memref<2x80x128xf32, #tpu.memory_space<vmem>>) attributes {dimension_semantics = [], scalar_prefetch = 0 : i64, scratch_operands = 0 : i64, tpu.core_type = #tpu.core_type<tc>} {
    %get3A = arith.constant 0 : index
    %get3A_0 = arith.constant 0 : index
    %get3A_1 = arith.constant 0 : index
    %get3A_2 = arith.constant 0 : index
    %get3A_3 = vector.load %arg0[%get3A, %get3A_0, %get3A_1, %get3A_2] : memref<2x2x80x128xf32, #tpu.memory_space<vmem>>, vector<1x1x80x128xf32>
    %get3A_4 = vector.shape_cast %get3A_3 : vector<1x1x80x128xf32> to vector<80x128xf32>
    %get3A_5 = arith.constant 1 : index
    %get3A_6 = arith.constant 0 : index
    %get3A_7 = arith.constant 0 : index
    %get3A_8 = arith.constant 0 : index
    %get3A_9 = vector.load %arg0[%get3A_5, %get3A_6, %get3A_7, %get3A_8] : memref<2x2x80x128xf32, #tpu.memory_space<vmem>>, vector<1x1x80x128xf32>
    %get3A_10 = vector.shape_cast %get3A_9 : vector<1x1x80x128xf32> to vector<80x128xf32>
    %add3A = arith.addf %get3A_4, %get3A_10 : vector<80x128xf32>
    %get3A_11 = arith.constant 0 : index
    %get3A_12 = arith.constant 1 : index
    %get3A_13 = arith.constant 0 : index
    %get3A_14 = arith.constant 0 : index
    %get3A_15 = vector.load %arg0[%get3A_11, %get3A_12, %get3A_13, %get3A_14] : memref<2x2x80x128xf32, #tpu.memory_space<vmem>>, vector<1x1x80x128xf32>
    %get3A_16 = vector.shape_cast %get3A_15 : vector<1x1x80x128xf32> to vector<80x128xf32>
    %get3A_17 = arith.constant 1 : index
    %get3A_18 = arith.constant 1 : index
    %get3A_19 = arith.constant 0 : index
    %get3A_20 = arith.constant 0 : index
    %get3A_21 = vector.load %arg0[%get3A_17, %get3A_18, %get3A_19, %get3A_20] : memref<2x2x80x128xf32, #tpu.memory_space<vmem>>, vector<1x1x80x128xf32>
    %get3A_22 = vector.shape_cast %get3A_21 : vector<1x1x80x128xf32> to vector<80x128xf32>
    %add3A_23 = arith.addf %get3A_16, %get3A_22 : vector<80x128xf32>
    %max3A = arith.constant 1.000000e+00 : f32
    %max3A_24 = vector.broadcast %max3A : f32 to vector<80x128xf32>
    %max3A_25 = arith.maximumf %add3A, %max3A_24 : vector<80x128xf32>
    %rsqrt3A = math.rsqrt %max3A_25 : vector<80x128xf32>
    %swap3A = arith.constant 0 : index
    %swap3A_26 = arith.constant 0 : index
    %swap3A_27 = arith.constant 0 : index
    %swap3A_28 = vector.load %arg1[%swap3A, %swap3A_26, %swap3A_27] : memref<2x80x128xf32, #tpu.memory_space<vmem>>, vector<1x80x128xf32>
    %swap3A_29 = vector.shape_cast %swap3A_28 : vector<1x80x128xf32> to vector<80x128xf32>
    %swap3A_30 = vector.shape_cast %rsqrt3A : vector<80x128xf32> to vector<1x80x128xf32>
    tpu.vector_store %arg1[%swap3A, %swap3A_26, %swap3A_27], %swap3A_30 {strides = array<i32>} : memref<2x80x128xf32, #tpu.memory_space<vmem>>, vector<1x80x128xf32>,
    %max3A_31 = arith.constant 1.000000e+00 : f32
    %max3A_32 = vector.broadcast %max3A_31 : f32 to vector<80x128xf32>
    %max3A_33 = arith.maximumf %add3A_23, %max3A_32 : vector<80x128xf32>
    %rsqrt3A_34 = math.rsqrt %max3A_33 : vector<80x128xf32>
    %swap3A_35 = arith.constant 1 : index
    %swap3A_36 = arith.constant 0 : index
    %swap3A_37 = arith.constant 0 : index
    %swap3A_38 = vector.load %arg1[%swap3A_35, %swap3A_36, %swap3A_37] : memref<2x80x128xf32, #tpu.memory_space<vmem>>, vector<1x80x128xf32>
    %swap3A_39 = vector.shape_cast %swap3A_38 : vector<1x80x128xf32> to vector<80x128xf32>
    %swap3A_40 = vector.shape_cast %rsqrt3A_34 : vector<80x128xf32> to vector<1x80x128xf32>
    tpu.vector_store %arg1[%swap3A_35, %swap3A_36, %swap3A_37], %swap3A_40 {strides = array<i32>} : memref<2x80x128xf32, #tpu.memory_space<vmem>>, vector<1x80x128xf32>,
    return
  }
}

module attributes {stable_mosaic.version = 14 : i64} {
  func.func @_scale_body(%arg0: memref<10240x128xf32, #tpu.memory_space<vmem>>, %arg1: memref<10240x1xf32, #tpu.memory_space<vmem>>, %arg2: memref<10240x128xf32, #tpu.memory_space<vmem>>) attributes {dimension_semantics = [], scalar_prefetch = 0 : i64, scratch_operands = 0 : i64, tpu.core_type = #tpu.core_type<tc>} {
    %get3A = arith.constant 0 : index
    %get3A_0 = arith.constant 0 : index
    %get3A_1 = vector.load %arg0[%get3A, %get3A_0] : memref<10240x128xf32, #tpu.memory_space<vmem>>, vector<10240x128xf32>
    %get3A_2 = arith.constant 0 : index
    %get3A_3 = arith.constant 0 : index
    %get3A_4 = vector.load %arg1[%get3A_2, %get3A_3] : memref<10240x1xf32, #tpu.memory_space<vmem>>, vector<10240x1xf32>
    %mul3A = vector.broadcast %get3A_4 : vector<10240x1xf32> to vector<10240x128xf32>
    %mul3A_5 = arith.mulf %get3A_1, %mul3A : vector<10240x128xf32>
    %swap3A = arith.constant 0 : index
    %swap3A_6 = arith.constant 0 : index
    %swap3A_7 = vector.load %arg2[%swap3A, %swap3A_6] : memref<10240x128xf32, #tpu.memory_space<vmem>>, vector<10240x128xf32>
    tpu.vector_store %arg2[%swap3A, %swap3A_6], %mul3A_5 {strides = array<i32>} : memref<10240x128xf32, #tpu.memory_space<vmem>>, vector<10240x128xf32>,
    return
  }
}

module attributes {stable_mosaic.version = 14 : i64} {
  func.func @_final_body(%arg0: memref<20480x128xf32, #tpu.memory_space<vmem>>, %arg1: memref<128x128xf32, #tpu.memory_space<vmem>>, %arg2: memref<10000x1xf32, #tpu.memory_space<vmem>>, %arg3: memref<1x128xf32, #tpu.memory_space<vmem>>, %arg4: memref<10000x128xf32, #tpu.memory_space<vmem>>) attributes {dimension_semantics = [], scalar_prefetch = 0 : i64, scratch_operands = 0 : i64, tpu.core_type = #tpu.core_type<tc>} {
    %get3A = arith.constant 0 : index
    %get3A_0 = arith.constant 0 : index
    %get3A_1 = vector.load %arg0[%get3A, %get3A_0] : memref<20480x128xf32, #tpu.memory_space<vmem>>, vector<10000x128xf32>
    %get3A_2 = arith.constant 10240 : index
    %get3A_3 = arith.constant 0 : index
    %get3A_4 = vector.load %arg0[%get3A_2, %get3A_3] : memref<20480x128xf32, #tpu.memory_space<vmem>>, vector<10000x128xf32>
    %add3A = arith.addf %get3A_1, %get3A_4 : vector<10000x128xf32>
    %get3A_5 = arith.constant 0 : index
    %get3A_6 = arith.constant 0 : index
    %get3A_7 = vector.load %arg1[%get3A_5, %get3A_6] : memref<128x128xf32, #tpu.memory_space<vmem>>, vector<128x128xf32>
    %dot_general3A = arith.constant dense<0.000000e+00> : vector<10000x128xf32>
    %dot_general3A_8 = tpu.matmul %add3A, %get3A_7, %dot_general3A {dimension_numbers = #tpu.dot_dimension_numbers<[1], [0], [0], [1], [0, 0, 1, 1], [], []>, transpose_lhs_hint = false} : vector<10000x128xf32>, vector<128x128xf32>, vector<10000x128xf32> -> vector<10000x128xf32>
    %get3A_9 = arith.constant 0 : index
    %get3A_10 = arith.constant 0 : index
    %get3A_11 = vector.load %arg2[%get3A_9, %get3A_10] : memref<10000x1xf32, #tpu.memory_space<vmem>>, vector<10000x1xf32>
    %mul3A = vector.broadcast %get3A_11 : vector<10000x1xf32> to vector<10000x128xf32>
    %mul3A_12 = arith.mulf %dot_general3A_8, %mul3A : vector<10000x128xf32>
    %get3A_13 = arith.constant 0 : index
    %get3A_14 = arith.constant 0 : index
    %get3A_15 = vector.load %arg3[%get3A_13, %get3A_14] : memref<1x128xf32, #tpu.memory_space<vmem>>, vector<1x128xf32>
    %add3A_16 = vector.broadcast %get3A_15 : vector<1x128xf32> to vector<10000x128xf32>
    %add3A_17 = arith.addf %mul3A_12, %add3A_16 : vector<10000x128xf32>
    %reduce_max3A = arith.constant dense<0xFF800000> : vector<10000xf32>
    %reduce_max3A_18 = vector.multi_reduction <maximumf>, %add3A_17, %reduce_max3A [1] : vector<10000x128xf32> to vector<10000xf32>
    %broadcast_in_dim3A = vector.shape_cast %reduce_max3A_18 : vector<10000xf32> to vector<10000x1xf32>
    %sub3A = vector.broadcast %broadcast_in_dim3A : vector<10000x1xf32> to vector<10000x128xf32>
    %sub3A_19 = arith.subf %add3A_17, %sub3A : vector<10000x128xf32>
    %exp3A = math.exp %sub3A_19 : vector<10000x128xf32>
    %reduce_sum3A = arith.constant dense<0.000000e+00> : vector<10000xf32>
    %reduce_sum3A_20 = vector.multi_reduction <add>, %exp3A, %reduce_sum3A [1] : vector<10000x128xf32> to vector<10000xf32>
    %broadcast_in_dim3A_21 = vector.shape_cast %reduce_sum3A_20 : vector<10000xf32> to vector<10000x1xf32>
    %div3A = vector.broadcast %broadcast_in_dim3A_21 : vector<10000x1xf32> to vector<10000x128xf32>
    %div3A_22 = arith.divf %exp3A, %div3A : vector<10000x128xf32>
    %swap3A = arith.constant 0 : index
    %swap3A_23 = arith.constant 0 : index
    %swap3A_24 = vector.load %arg4[%swap3A, %swap3A_23] : memref<10000x128xf32, #tpu.memory_space<vmem>>, vector<10000x128xf32>
    tpu.vector_store %arg4[%swap3A, %swap3A_23], %div3A_22 {strides = array<i32>} : memref<10000x128xf32, #tpu.memory_space<vmem>>, vector<10000x128xf32>,
    return
  }
}

</mosaic_0001>

<sc_bundles>
// kernel: kernel.10.cloned.1.call-start
scs
__scs_entry_jumppad:
0x0: {  	(pc) =	sbr.rel $0x88, $3  }
0x1: {  	(tag) =	ssettag $0x0;
	lr =	simm.s32 $0x1  }
0x2: {  	[smem:$0x3F9D] =	sst lr;
	_ =	strace $0xD0000000  }
0x3: {  	_ = 	snop  }
0x4: {  	_ = 	snop  }
0x5: {  	_ = 	snop  }
0x6: {  	_ = 	snop  }
0x7: {  	_ = 	snop  }
__scs_overlays_trampoline_lowered:
0x8: {  	[smem:$0x3FAC] =	sst s0  }
0x9: {  	[smem:$0x3FAD] =	sst s1  }
0xa: {  	[smem:$0x3FAE] =	sst s2  }
0xb: {  	[smem:$0x3FAF] =	sst s3  }
0xc: {  	[smem:$0x3FB0] =	sst s4  }
0xd: {  	[smem:$0x3FB1] =	sst s5  }
0xe: {  	[smem:$0x3FB2] =	sst s6  }
0xf: {  	[smem:$0x3FB3] =	sst s7  }
0x10: {  	[smem:$0x3FB4] =	sst s8  }
0x11: {  	[smem:$0x3FB5] =	sst s9;
	s0 =	simm.s32 @!p0 $0x0  }
0x12: {  	s1 =	sld [smem:$0x3F9B];
	s0 =	simm.s32 @p0 $0x1  }
0x13: {  	[smem:$0x3FB6] =	sst s0;
	s0 =	simm.s32 @!p1 $0x0  }
0x14: {  	s2 =	sld [smem:$0x3F9A];
	s0 =	simm.s32 @p1 $0x1  }
0x15: {  	[smem:$0x3FB7] =	sst s0;
	s0 =	simm.s32 @!p2 $0x0  }
0x16: {  	s3 =	sld [smem:$0x3FDB];
	s0 =	simm.s32 @p2 $0x1  }
0x17: {  	s4 =	simm.s32 $0x1BF5;
	[smem:$0x3FB9] =	sst s0  }
0x18: {  	s0 =	sld [smem:$0x3F9C];
	_ =	swait.ge [sflag:s4], $0x0  }
0x19: {  	s7 =	sld [smem:$0x3F9D]  }
0x1a: {  	s8 =	sadd.s32 $0xFFFFE003, lr  }
0x1b: {  	s9 =	sadd.s32 $0xFFFFFEF7, lr;
	s5 =	simm.s32 $0xFFFFFFFF;
	p2 =	slt.u32 s8, $0xFFFFF086  }
0x1c: {  	p1 =	slt.u32 s9, $0xF7A;
	s5 =	simm.s32 @!p2 $0x0  }
0x1d: {  	s5 =	simm.s32 @p1 $0x1;
	p0 =	seq.s32 s7, s2  }
0x1e: {  	s7 =	smul.u32 @!p0 $0xF7A, s2;
	p2 =	seq.s32 @!p0 s5, $0x0  }
0x1f: {  	s9 =	smul.u32 $0xF7A, s1;
	s8 =	simm.s32 @!p0 $0x1BF5;
	p2 =	por !p2, p0  }
0x20: {  	[sflag:s8] =	ssyncset.s32 @!p0 $0xFFFFF086;
	s6 =	sadd.s32 @!p0 s3, s7;
	s7 =	simm.s32 @!p0 $0x108  }
0x21: {  	s3 =	sadd.s32 s3, s9;
	s6 =	sadd.s32 @!p0 $0x88, s6;
	s7 =	simm.s32 @p2 $0x1082  }
0x22: {  	[simem:s7], [sflag:s8] =	dma.local @!p0 [hbm:s6], $0xF7A  }
0x23: {  	s9 =	sor.u32 $0xD0000000, s2;
	s6 =	simm.s32 $0x108;
	_ =	swait.ge @!p0 [sflag:s8], $0x0  }
0x24: {  	s3 =	sadd.s32 $0x88, s3;
	s6 =	simm.s32 @!p1 $0x1082;
	[sflag:s4] =	ssyncset.s32 $0xFFFFF086  }
0x25: {  	[simem:s6], [sflag:s4] =	dma.local [hbm:s3], $0xF7A  }
0x26: {  	[smem:$0x3F9D] =	sst s1;
	(tag) =	ssettag s2;
	_ =	strace s9  }
0x27: {  	s1 =	sld [smem:$0x3FAD]  }
0x28: {  	s2 =	sld [smem:$0x3FAE]  }
0x29: {  	s4 =	sld [smem:$0x3FB0]  }
0x2a: {  	p0 =	seq.s32 s5, $0x0;
	s5 =	sld [smem:$0x3FB1]  }
0x2b: {  	s6 =	sld [smem:$0x3FB2]  }
0x2c: {  	s7 =	sld [smem:$0x3FB3]  }
0x2d: {  	s3 =	simm.s32 $0x108;
	s8 =	sld [smem:$0x3FB4]  }
0x2e: {  	s3 =	simm.s32 @!p0 $0x1082;
	s9 =	sld [smem:$0x3FB5]  }
0x2f: {  	lr =	sadd.s32 s0, s3;
	s0 =	sld [smem:$0x3FAC]  }
0x30: {  	s3 =	sld [smem:$0x3FAF]  }
0x31: {  	[smem:$0x3FB8] =	sst s10  }
0x32: {  	s10 =	sld [smem:$0x3FB6];
	_ =	sdelay $0x3  }
0x33: {  	p0 =	seq.s32 s10, $0x1;
	s10 =	sld [smem:$0x3FB8];
	_ =	sdelay $0x3  }
0x34: {  	[smem:$0x3FB8] =	sst s10  }
0x35: {  	s10 =	sld [smem:$0x3FB7];
	_ =	sdelay $0x3  }
0x36: {  	p1 =	seq.s32 s10, $0x1;
	s10 =	sld [smem:$0x3FB8];
	_ =	sdelay $0x3  }
0x37: {  	[smem:$0x3FB8] =	sst s10  }
0x38: {  	s10 =	sld [smem:$0x3FB9]  }
0x39: {  	_ = 	snop;
	(pc) =	sbr.ind lr, $3  }
0x3a: {  	_ = 	snop  }
0x3b: {  	_ = 	snop  }
0x3c: {  	p2 =	seq.s32 s10, $0x1;
	s10 =	sld [smem:$0x3FB8]  }
0x3d: {  	_ =	shalt  }
0x3e: {  	_ =	shalt  }
0x3f: {  	_ =	shalt  }
0x40: {  	_ =	shalt  }
0x41: {  	_ =	shalt  }
0x42: {  	_ =	shalt  }
0x43: {  	_ =	shalt  }
0x44: {  	_ =	shalt  }
0x45: {  	_ =	shalt  }
0x46: {  	_ =	shalt  }
0x47: {  	_ =	shalt  }
0x48: {  	_ =	shalt  }
0x49: {  	_ =	shalt  }
0x4a: {  	_ =	shalt  }
0x4b: {  	_ =	shalt  }
0x4c: {  	_ =	shalt  }
0x4d: {  	_ =	shalt  }
0x4e: {  	_ =	shalt  }
0x4f: {  	_ =	shalt  }
0x50: {  	_ =	shalt  }
0x51: {  	_ =	shalt  }
0x52: {  	_ =	shalt  }
0x53: {  	_ =	shalt  }
0x54: {  	_ =	shalt  }
0x55: {  	_ =	shalt  }
0x56: {  	_ =	shalt  }
0x57: {  	_ =	shalt  }
0x58: {  	_ =	shalt  }
0x59: {  	_ =	shalt  }
0x5a: {  	_ =	shalt  }
0x5b: {  	_ =	shalt  }
0x5c: {  	_ =	shalt  }
0x5d: {  	_ =	shalt  }
0x5e: {  	_ =	shalt  }
0x5f: {  	_ =	shalt  }
0x60: {  	_ =	shalt  }
0x61: {  	_ =	shalt  }
0x62: {  	_ =	shalt  }
0x63: {  	_ =	shalt  }
0x64: {  	_ =	shalt  }
0x65: {  	_ =	shalt  }
0x66: {  	_ =	shalt  }
0x67: {  	_ =	shalt  }
0x68: {  	_ =	shalt  }
0x69: {  	_ =	shalt  }
0x6a: {  	_ =	shalt  }
0x6b: {  	_ =	shalt  }
0x6c: {  	_ =	shalt  }
0x6d: {  	_ =	shalt  }
0x6e: {  	_ =	shalt  }
0x6f: {  	_ =	shalt  }
0x70: {  	_ =	shalt  }
0x71: {  	_ =	shalt  }
0x72: {  	_ =	shalt  }
0x73: {  	_ =	shalt  }
0x74: {  	_ =	shalt  }
0x75: {  	_ =	shalt  }
0x76: {  	_ =	shalt  }
0x77: {  	_ =	shalt  }
0x78: {  	_ =	shalt  }
0x79: {  	_ =	shalt  }
0x7a: {  	_ =	shalt  }
0x7b: {  	_ =	shalt  }
0x7c: {  	_ =	shalt  }
0x7d: {  	_ =	shalt  }
0x7e: {  	_ =	shalt  }
0x7f: {  	_ =	shalt  }
0x80: {  	_ =	shalt  }
0x81: {  	_ =	shalt  }
0x82: {  	_ =	shalt  }
0x83: {  	_ =	shalt  }
0x84: {  	_ =	shalt  }
0x85: {  	_ =	shalt  }
0x86: {  	_ =	shalt  }
0x87: {  	_ =	shalt  }
.Lfunc_end0:
.L_simem_size_0:
called_computation.1_lowered:
.L_overlay_start_0:
0x88: {  	s2 =	sld [smem:$0x3FD9]  }
0x89: {  	s3 =	sld [smem:$0x3FFE];
	_ =	sdelay $0x1  }
0x8a: {  	s1 =	srdreg.scid  }
0x8b: {  	s0 =	sand.u32 $0x1, s1  }
0x8c: {  	s17 =	sshll.u32 s0, $0xA;
	s2 =	sadd.s32 s3, s2  }
0x8d: {  	s2 =	sadd.s32 s2, s17  }
0x8e: {  	[smem:$0x3FC4] =	sst s2  }
0x8f: {  	_ = 	snop  }
0x90: {  	s2 =	sld [smem:$0x3FD0];
	(tm) =	ssettm $0x1  }
0x91: {  	s18 =	sld [smem:$0x3FFB];
	_ =	sdelay $0x3  }
0x92: {  	_ =	strace s18  }
0x93: {  	s3 =	sld [smem:$0x3FFC];
	_ =	sdelay $0x3  }
0x94: {  	_ =	strace s3  }
0x95: {  	s3 =	sld [smem:$0x3FFD];
	_ =	sdelay $0x3  }
0x96: {  	_ =	strace s3  }
0x97: {  	_ =	strace $0x8FFFFFFF  }
0x98: {  	s19 =	sld [smem:$0x3FDB];
	_ =	sdelay $0x1  }
0x99: {  	s4 =	simm.s32 $_scs_section_size  }
0x9a: {  	s5 =	simm.s32 $_size__tile_overlayer_lowered;
	s6 =	simm.s32 $_tile_overlayer_lowered  }
0x9b: {  	s22 =	simm.s32 $0x1BFF;
	s21 =	sshll.u32 s6, $0x1;
	s3 =	sadd.s32 s4, s19  }
0x9c: {  	s7 =	simm.s32 $0x0;
	s20 =	sshll.u32 s5, $0x1;
	s5 =	sadd.s32 s21, s3  }
0x9d: {  	[timem:s7], [sflag:s22] =	dma.local [hbm:s5], s20  }
0x9e: {  	_ =	swait.ge [sflag:s22], s20  }
0x9f: {  	s4 =	ssub.s32 $0x0, s20;
	[sflag:s22] =	ssyncset.done $0x0  }
0xa0: {  	[sflag:s22] =	ssyncadd.s32 s4;
	_ =	sdelay $0x1  }
0xa1: {  	s23 =	simm.s32 $0x1B8B  }
0xa2: {  	_ =	swait.ge [sflag:s23], $0x1  }
0xa3: {  	[sflag:s23] =	ssyncset.done $0x0  }
0xa4: {  	s25 =	simm.s32 $0x1B8E;
	s24 =	sld [smem:$0x3FFE];
	[sflag:s23] =	ssyncadd.s32 $0xFFFFFFFF  }
0xa5: {  	s26 =	simm.s32 $execute0_lowered;
	[smem:$0x3FD2] =	sst s25  }
0xa6: {  	s5 =	sshll.u32 s26, $0x1;
	_ =	strace $0x80000049;
	[dreg:$0x1] =	wrdreg $0xFFFFFFFF  }
0xa7: {  	s28 =	simm.s32 $_size_execute0_lowered;
	s3 =	sadd.s32 s3, s5;
	[dreg:$0x0] =	wrdreg $0x0  }
0xa8: {  	s5 =	sshll.u32 s28, $0x1;
	[dreg:$0x2] =	wrdreg s3  }
0xa9: {  	[dreg:$0x3] =	wrdreg s5  }
0xaa: {  	[dreg:$0x4] =	wrdreg $0xC0  }
0xab: {  	_ =	task [dreg:s7], $0x5FFFF  }
0xac: {  	[dreg:$0x1] =	wrdreg $0xFFFFFFFF  }
0xad: {  	[dreg:$0x0] =	wrdreg $0x60  }
0xae: {  	[dreg:$0x2] =	wrdreg s24  }
0xaf: {  	[dreg:$0x3] =	wrdreg s2  }
0xb0: {  	[dreg:$0x4] =	wrdreg $0x84000  }
0xb1: {  	[dreg:$0x5] =	wrdreg $0x9  }
0xb2: {  	_ =	task.clear_ibuf [dreg:s7], $0x6FFFF;
	_ =	strace $0x90000049  }
0xb3: {  	s29 =	simm.s32 $0x9;
	_ =	strace $0x8000004B  }
0xb4: {  	_ =	swait.ge [sflag:s29], $0x1  }
0xb5: {  	[sflag:s29] =	ssyncadd.s32 $0xFFFFFFFF  }
0xb6: {  	_ =	strace $0x9000004B  }
0xb7: {  	_ =	sfence  }
0xb8: {  	s30 =	sld [smem:$0x0];
	_ =	sdelay $0x2  }
0xb9: {  	s31 =	sshll.u32 s1, $0xD;
	s1 =	sshrl.u32 s1, $0x2  }
0xba: {  	s3 =	sand.u32 $0x4000, s31;
	s1 =	sadd.s32 s1, s30  }
0xbb: {  	s0 =	sor.u32 s3, s0;
	s1 =	sshll.u32 s1, $0x11  }
0xbc: {  	s0 =	sor.u32 s1, s0  }
0xbd: {  	s0 =	sadd.s32 $0x8F2B, s0  }
0xbe: {  	[sflag:s0] =	ssyncadd.remote.s32 $0x1  }
0xbf: {  	_ =	sfence.sel $0xFFFF  }
0xc0: {  	[dreg:$0x0] =	wrdreg $0xFFFFFFFF;
	(pc) =	sbr.abs _section_cstart, $3  }
0xc1: {  	[dreg:$0x1] =	wrdreg $0xFFFFFFFF  }
0xc2: {  	_ =	task.clear_ibuf [dreg:s7], $0x2FFFF;
	_ =	strace $0x9FFFFFFF  }
0xc3: {  	(tm) =	ssettm $0x7FFFFFFF  }
tec
execute0_lowered:
.L_overlay_start_1:
0x0: {  	(tag) =	ssettag $0x1  }
0x1: {  	s0 =	rddreg [dreg:$0x0]  }
0x2: {  	s3 =	rddreg [dreg:$0x1]  }
0x3: {  	s1 =	rddreg [dreg:$0x2];
	s2 =	simm.s32 $0x0  }
0x4: {  	s5 =	srdreg.scid;
	s10 =	stileid.u32;
	s28 =	simm.s32 $0x4400  }
0x5: {  	s29 =	simm.s32 $0x100;
	s30 =	simm.s32 $0x300;
	s31 =	simm.s32 $0x180  }
0x6: {  	[smem:$0x7FF] =	sst s2;
	s4 =	sadd.s32 $0xB800, s0;
	s7 =	smul.u32 $0x50, s10  }
0x7: {  	s5 =	sand.u32 $0x1, s5;
	s13 =	sadd.s32 $0x1600, s0;
	s9 =	smul.u32 $0x50000, s10  }
0x8: {  	s8 =	sadd.s32 $0x33800, s0;
	s0 =	sadd.s32 $0x34000, s0;
	s15 =	smul.u32 $0x280, s10  }
0x9: {  	_ =	strace $0x8000004A;
	s6 =	ssub.s32 $0x2, s5;
	[dreg:$0x4] =	wrdreg s8  }
0xa: {  	p0 =	seq.s32 s5, $0x0;
	s5 =	smul.u32 $0x2800, s5;
	s26 =	sshrl.u32 s6, $0x1  }
0xb: {  	s10 =	sadd.s32 $0x500, s7;
	s11 =	sshrl.u32 s9, $0x2;
	s16 =	sadd.s32 $0x80, s15  }
0xc: {  	s17 =	sadd.s32 $0x100, s15;
	s18 =	sadd.s32 $0x180, s15;
	s14 =	ssub.s32 s6, s26  }
0xd: {  	s10 =	smov.u32 @p0 s7;
	s6 =	sadd.s32 s11, s1;
	s12 =	sshll.u32 s16, $0x7  }
0xe: {  	s19 =	sshll.u32 s17, $0x7;
	s20 =	sshll.u32 s18, $0x7;
	s16 =	sadd.s32 s5, s16  }
0xf: {  	s25 =	sadd.s32 s5, s17;
	s26 =	sadd.s32 s5, s18;
	s7 =	sadd.s32 s12, s1  }
0x10: {  	s8 =	sadd.s32 s19, s1;
	s9 =	sadd.s32 s20, s1;
	s19 =	sadd.s32 $0x200, s15  }
0x11: {  	s20 =	sshll.u32 s10, $0x4;
	s15 =	sadd.s32 s15, s5;
	s22 =	sshll.u32 s16, $0x4  }
0x12: {  	s11 =	sshll.u32 s19, $0x7;
	s12 =	sadd.s32 s3, s20;
	s21 =	sshll.u32 s15, $0x4  }
0x13: {  	s24 =	sadd.s32 s0, s22;
	s5 =	sadd.s32 s5, s19;
	s22 =	simm.s32 $0x4  }
0x14: {  	s10 =	sadd.s32 s11, s1;
	s11 =	sadd.s32 s13, s20;
	s20 =	sor.u32 $0x10, s20  }
0x15: {  	s23 =	sadd.s32 s0, s21;
	[dreg:$0x8] =	wrdreg s24;
	s5 =	sshll.u32 s5, $0x4  }
0x16: {  	s21 =	simm.s32 $0x400;
	s24 =	simm.s32 $0x80;
	s13 =	sadd.s32 s13, s20  }
0x17: {  	s3 =	sadd.s32 s3, s20;
	[dreg:$0x7] =	wrdreg s23;
	s19 =	sadd.s32 s0, s5  }
0x18: {  	s20 =	smax.u32 s14, $0x1;
	s23 =	simm.s32 $0x200;
	[dreg:$0x5] =	wrdreg s13  }
0x19: {  	s5 =	simm.s32 $0x3;
	[dreg:$0x6] =	wrdreg s3;
	s3 =	sshll.u32 s25, $0x4  }
0x1a: {  	s13 =	sshll.u32 s26, $0x4;
	s25 =	simm.s32 $0x280;
	s26 =	simm.s32 $0x1  }
0x1b: {  	s3 =	sadd.s32 s0, s3;
	s18 =	sadd.s32 s0, s13;
	s0 =	simm.s32 $0x380  }
0x1c: {  	s13 =	simm.s32 $0x0;
	[dreg:$0x9] =	wrdreg s3;
	s3 =	simm.s32 $0x2  }
.LBB2_1:
0x1d: {  	s14 =	rddreg [dreg:$0x4]  }
0x1e: {  	[tilespmem:s21], [sflag:$0x4] =	stream.linear.gather [hbm4b:s14+s2], $0x4000, $0x38;
	[tilespmem:$0x1C400] =	vst v63  }
0x1f: {  	_ =	swait.ge [sflag:s22], $0x4000  }
0x20: {  	[sflag:s22] =	ssyncset.done $0x0  }
0x21: {  	[sflag:s22] =	ssyncadd.s32 $0xFFFFC000  }
0x22: {  	[spmem:s6] =	stream.linear.scatter [tilespmem:s21], [sflag:$0x4], $0x4000, $0x38;
	[tilespmem:$0x1C400] =	vst v63  }
0x23: {  	_ =	swait.ge [sflag:s22], $0x4000  }
0x24: {  	[sflag:s22] =	ssyncset.done $0x0  }
0x25: {  	[sflag:s22] =	ssyncadd.s32 $0xFFFFC000  }
0x26: {  	[spmem:s7] =	stream.linear.scatter [tilespmem:s21], [sflag:$0x4], $0x4000, $0x38;
	[tilespmem:$0x1C400] =	vst v63  }
0x27: {  	_ =	swait.ge [sflag:s22], $0x4000  }
0x28: {  	[sflag:s22] =	ssyncset.done $0x0  }
0x29: {  	[sflag:s22] =	ssyncadd.s32 $0xFFFFC000  }
0x2a: {  	[spmem:s8] =	stream.linear.scatter [tilespmem:s21], [sflag:$0x4], $0x4000, $0x38;
	[tilespmem:$0x1C400] =	vst v63  }
0x2b: {  	_ =	swait.ge [sflag:s22], $0x4000  }
0x2c: {  	[sflag:s22] =	ssyncset.done $0x0  }
0x2d: {  	[sflag:s22] =	ssyncadd.s32 $0xFFFFC000  }
0x2e: {  	[spmem:s9] =	stream.linear.scatter [tilespmem:s21], [sflag:$0x4], $0x4000, $0x38;
	[tilespmem:$0x1C400] =	vst v63  }
0x2f: {  	_ =	swait.ge [sflag:s22], $0x4000  }
0x30: {  	[sflag:s22] =	ssyncset.done $0x0  }
0x31: {  	[sflag:s22] =	ssyncadd.s32 $0xFFFFC000  }
0x32: {  	[spmem:s10] =	stream.linear.scatter [tilespmem:s21], [sflag:$0x4], $0x4000, $0x38;
	[tilespmem:$0x1C400] =	vst v63  }
0x33: {  	_ =	swait.ge [sflag:s22], $0x4000  }
0x34: {  	[sflag:s22] =	ssyncset.done $0x0  }
0x35: {  	[sflag:s22] =	ssyncadd.s32 $0xFFFFC000  }
0x36: {  	[tilespmem:s2], [sflag:$0x1] =	stream.linear.gather [hbm4b:s11+s2], $0x80, $0x38;
	[tilespmem:$0x1C400] =	vst v63  }
0x37: {  	_ = 	snop  }
0x38: {  	[tilespmem:s23], [sflag:$0x1] =	stream.linear.gather [hbm4b:s12+s2], $0x80, $0x38;
	[tilespmem:$0x1C400] =	vst v63  }
0x39: {  	s15 =	rddreg [dreg:$0x5]  }
0x3a: {  	[tilespmem:s24], [sflag:$0x1] =	stream.linear.gather [hbm4b:s15+s2], $0x80, $0x38;
	[tilespmem:$0x1C400] =	vst v63  }
0x3b: {  	s16 =	rddreg [dreg:$0x6]  }
0x3c: {  	[tilespmem:s25], [sflag:$0x1] =	stream.linear.gather [hbm4b:s16+s2], $0x80, $0x38;
	[tilespmem:$0x1C400] =	vst v63  }
0x3d: {  	_ =	swait.ge [sflag:s26], $0x80  }
0x3e: {  	[sflag:s26] =	ssyncset.done $0x0  }
0x3f: {  	[sflag:s26] =	ssyncadd.s32 $0xFFFFFF80  }
0x40: {  	_ =	swait.ge [sflag:s26], $0x80  }
0x41: {  	[sflag:s26] =	ssyncset.done $0x0  }
0x42: {  	[sflag:s26] =	ssyncadd.s32 $0xFFFFFF80  }
0x43: {  	_ =	swait.ge [sflag:s26], $0x80  }
0x44: {  	[sflag:s26] =	ssyncset.done $0x0  }
0x45: {  	[sflag:s26] =	ssyncadd.s32 $0xFFFFFF80  }
0x46: {  	_ =	swait.ge [sflag:s26], $0x80  }
0x47: {  	[sflag:s26] =	ssyncset.done $0x0  }
0x48: {  	[sflag:s26] =	ssyncadd.s32 $0xFFFFFF80  }
0x49: {  	[bflag:$0x0] =	sbarrier.arrive $0xFFFF  }
0x4a: {  	[tilespmem:s21], [sflag:$0x2] =	stream.indirect.gather [hbm4b:s4+s24], $0x80, s2, s24, $0xb8;
	[tilespmem:$0x1C400] =	vst v63  }
0x4b: {  	s14 =	sadd.s32 $0x0, s11  }
0x4c: {  	[tilespmem:s28], [sflag:$0x3] =	stream.indirect.gather [hbm4b:s4+s24], $0x80, s24, s24, $0xb8;
	[tilespmem:$0x1C400] =	vst v63  }
0x4d: {  	s15 =	sadd.s32 $0x20, s14;
	s16 =	sadd.s32 $0x0, s12  }
0x4e: {  	[tilespmem:s29], [sflag:$0x1] =	stream.linear.gather [hbm4b:s15+s2], $0x80, $0x38;
	[tilespmem:$0x1C400] =	vst v63  }
0x4f: {  	s17 =	sadd.s32 $0x20, s16  }
0x50: {  	[tilespmem:s30], [sflag:$0x1] =	stream.linear.gather [hbm4b:s17+s2], $0x80, $0x38;
	[tilespmem:$0x1C400] =	vst v63  }
0x51: {  	s17 =	sadd.s32 $0x30, s14  }
0x52: {  	[tilespmem:s31], [sflag:$0x1] =	stream.linear.gather [hbm4b:s17+s2], $0x80, $0x38;
	[tilespmem:$0x1C400] =	vst v63  }
0x53: {  	s17 =	sadd.s32 $0x30, s16  }
0x54: {  	[tilespmem:s0], [sflag:$0x1] =	stream.linear.gather [hbm4b:s17+s2], $0x80, $0x38;
	[tilespmem:$0x1C400] =	vst v63  }
0x55: {  	_ =	swait.ge [sflag:s26], $0x80  }
0x56: {  	[sflag:s26] =	ssyncset.done $0x0  }
0x57: {  	[sflag:s26] =	ssyncadd.s32 $0xFFFFFF80  }
0x58: {  	_ =	swait.ge [sflag:s26], $0x80  }
0x59: {  	[sflag:s26] =	ssyncset.done $0x0  }
0x5a: {  	[sflag:s26] =	ssyncadd.s32 $0xFFFFFF80  }
0x5b: {  	_ =	swait.ge [sflag:s26], $0x80  }
0x5c: {  	[sflag:s26] =	ssyncset.done $0x0  }
0x5d: {  	[sflag:s26] =	ssyncadd.s32 $0xFFFFFF80  }
0x5e: {  	_ =	swait.ge [sflag:s26], $0x80  }
0x5f: {  	[sflag:s26] =	ssyncset.done $0x0  }
0x60: {  	[sflag:s26] =	ssyncadd.s32 $0xFFFFFF80  }
0x61: {  	_ =	swait.ge [sflag:s3], $0x4000  }
0x62: {  	[sflag:s3] =	ssyncset.done $0x0  }
0x63: {  	[sflag:s3] =	ssyncadd.s32 $0xFFFFC000  }
0x64: {  	_ =	swait.ge [sflag:s5], $0x4000  }
0x65: {  	[sflag:s5] =	ssyncset.done $0x0  }
0x66: {  	[sflag:s5] =	ssyncadd.s32 $0xFFFFC000  }
0x67: {  	[spmem:s1] =	stream.indirect.scatter.add.f32 [tilespmem:s21], [sflag:$0x4], $0x80, s23, s24, $0xb8;
	[tilespmem:$0x1C400] =	vst v63  }
0x68: {  	_ =	swait.ge [sflag:s22], $0x4000  }
0x69: {  	[sflag:s22] =	ssyncset.done $0x0  }
0x6a: {  	[sflag:s22] =	ssyncadd.s32 $0xFFFFC000  }
0x6b: {  	[spmem:s1] =	stream.indirect.scatter.add.f32 [tilespmem:s28], [sflag:$0x4], $0x80, s25, s24, $0xb8;
	[tilespmem:$0x1C400] =	vst v63  }
0x6c: {  	_ =	swait.ge [sflag:s22], $0x4000  }
0x6d: {  	[sflag:s22] =	ssyncset.done $0x0  }
0x6e: {  	[sflag:s22] =	ssyncadd.s32 $0xFFFFC000  }
0x6f: {  	[tilespmem:s21], [sflag:$0x2] =	stream.indirect.gather [hbm4b:s4+s24], $0x80, s29, s24, $0xb8;
	[tilespmem:$0x1C400] =	vst v63  }
0x70: {  	_ = 	snop  }
0x71: {  	[tilespmem:s28], [sflag:$0x3] =	stream.indirect.gather [hbm4b:s4+s24], $0x80, s31, s24, $0xb8;
	[tilespmem:$0x1C400] =	vst v63  }
0x72: {  	s17 =	sadd.s32 $0x40, s14  }
0x73: {  	[tilespmem:s2], [sflag:$0x1] =	stream.linear.gather [hbm4b:s17+s2], $0x80, $0x38;
	[tilespmem:$0x1C400] =	vst v63  }
0x74: {  	s17 =	sadd.s32 $0x40, s16  }
0x75: {  	[tilespmem:s23], [sflag:$0x1] =	stream.linear.gather [hbm4b:s17+s2], $0x80, $0x38;
	[tilespmem:$0x1C400] =	vst v63  }
0x76: {  	s14 =	sadd.s32 $0x50, s14  }
0x77: {  	[tilespmem:s24], [sflag:$0x1] =	stream.linear.gather [hbm4b:s14+s2], $0x80, $0x38;
	[tilespmem:$0x1C400] =	vst v63  }
0x78: {  	s17 =	sadd.s32 $0x50, s16  }
0x79: {  	[tilespmem:s25], [sflag:$0x1] =	stream.linear.gather [hbm4b:s17+s2], $0x80, $0x38;
	[tilespmem:$0x1C400] =	vst v63  }
0x7a: {  	_ =	swait.ge [sflag:s26], $0x80  }
0x7b: {  	[sflag:s26] =	ssyncset.done $0x0  }
0x7c: {  	[sflag:s26] =	ssyncadd.s32 $0xFFFFFF80  }
0x7d: {  	_ =	swait.ge [sflag:s26], $0x80  }
0x7e: {  	[sflag:s26] =	ssyncset.done $0x0  }
0x7f: {  	[sflag:s26] =	ssyncadd.s32 $0xFFFFFF80  }
0x80: {  	_ =	swait.ge [sflag:s26], $0x80  }
0x81: {  	[sflag:s26] =	ssyncset.done $0x0  }
0x82: {  	[sflag:s26] =	ssyncadd.s32 $0xFFFFFF80  }
0x83: {  	_ =	swait.ge [sflag:s26], $0x80  }
0x84: {  	[sflag:s26] =	ssyncset.done $0x0  }
0x85: {  	[sflag:s26] =	ssyncadd.s32 $0xFFFFFF80  }
0x86: {  	_ =	swait.ge [sflag:s3], $0x4000  }
0x87: {  	[sflag:s3] =	ssyncset.done $0x0  }
0x88: {  	[sflag:s3] =	ssyncadd.s32 $0xFFFFC000  }
0x89: {  	_ =	swait.ge [sflag:s5], $0x4000  }
0x8a: {  	[sflag:s5] =	ssyncset.done $0x0  }
0x8b: {  	[sflag:s5] =	ssyncadd.s32 $0xFFFFC000  }
0x8c: {  	[spmem:s1] =	stream.indirect.scatter.add.f32 [tilespmem:s21], [sflag:$0x4], $0x80, s30, s24, $0xb8;
	[tilespmem:$0x1C400] =	vst v63  }
0x8d: {  	_ =	swait.ge [sflag:s22], $0x4000  }
0x8e: {  	[sflag:s22] =	ssyncset.done $0x0  }
0x8f: {  	[sflag:s22] =	ssyncadd.s32 $0xFFFFC000  }
0x90: {  	[spmem:s1] =	stream.indirect.scatter.add.f32 [tilespmem:s28], [sflag:$0x4], $0x80, s0, s24, $0xb8;
	[tilespmem:$0x1C400] =	vst v63  }
0x91: {  	_ =	swait.ge [sflag:s22], $0x4000  }
0x92: {  	s14 =	simm.s32 $0x40;
	[sflag:s22] =	ssyncset.done $0x0  }
.LBB2_2:
0x93: {  	p0 =	sne.s32 s14, $0x4C0  }
0x94: {  	[sflag:s22] =	ssyncadd.s32 $0xFFFFC000;
	s16 =	smov.u32 s14;
	s14 =	sadd.s32 $0x40, s14  }
0x95: {  	[tilespmem:s21], [sflag:$0x2] =	stream.indirect.gather [hbm4b:s4+s24], $0x80, s2, s24, $0xb8;
	[tilespmem:$0x1C400] =	vst v63  }
0x96: {  	s15 =	sadd.s32 s16, s11  }
0x97: {  	[tilespmem:s28], [sflag:$0x3] =	stream.indirect.gather [hbm4b:s4+s24], $0x80, s24, s24, $0xb8;
	[tilespmem:$0x1C400] =	vst v63  }
0x98: {  	s16 =	sadd.s32 s16, s12;
	s17 =	sadd.s32 $0x20, s15  }
0x99: {  	[tilespmem:s29], [sflag:$0x1] =	stream.linear.gather [hbm4b:s17+s2], $0x80, $0x38;
	[tilespmem:$0x1C400] =	vst v63  }
0x9a: {  	s17 =	sadd.s32 $0x20, s16  }
0x9b: {  	[tilespmem:s30], [sflag:$0x1] =	stream.linear.gather [hbm4b:s17+s2], $0x80, $0x38;
	[tilespmem:$0x1C400] =	vst v63  }
0x9c: {  	s17 =	sadd.s32 $0x30, s15  }
0x9d: {  	[tilespmem:s31], [sflag:$0x1] =	stream.linear.gather [hbm4b:s17+s2], $0x80, $0x38;
	[tilespmem:$0x1C400] =	vst v63  }
0x9e: {  	s17 =	sadd.s32 $0x30, s16  }
0x9f: {  	[tilespmem:s0], [sflag:$0x1] =	stream.linear.gather [hbm4b:s17+s2], $0x80, $0x38;
	[tilespmem:$0x1C400] =	vst v63  }
0xa0: {  	_ =	swait.ge [sflag:s26], $0x80  }
0xa1: {  	[sflag:s26] =	ssyncset.done $0x0  }
0xa2: {  	[sflag:s26] =	ssyncadd.s32 $0xFFFFFF80  }
0xa3: {  	_ =	swait.ge [sflag:s26], $0x80  }
0xa4: {  	[sflag:s26] =	ssyncset.done $0x0  }
0xa5: {  	[sflag:s26] =	ssyncadd.s32 $0xFFFFFF80  }
0xa6: {  	_ =	swait.ge [sflag:s26], $0x80  }
0xa7: {  	[sflag:s26] =	ssyncset.done $0x0  }
0xa8: {  	[sflag:s26] =	ssyncadd.s32 $0xFFFFFF80  }
0xa9: {  	_ =	swait.ge [sflag:s26], $0x80  }
0xaa: {  	[sflag:s26] =	ssyncset.done $0x0  }
0xab: {  	[sflag:s26] =	ssyncadd.s32 $0xFFFFFF80  }
0xac: {  	_ =	swait.ge [sflag:s3], $0x4000  }
0xad: {  	[sflag:s3] =	ssyncset.done $0x0  }
0xae: {  	[sflag:s3] =	ssyncadd.s32 $0xFFFFC000  }
0xaf: {  	_ =	swait.ge [sflag:s5], $0x4000  }
0xb0: {  	[sflag:s5] =	ssyncset.done $0x0  }
0xb1: {  	[sflag:s5] =	ssyncadd.s32 $0xFFFFC000  }
0xb2: {  	[spmem:s1] =	stream.indirect.scatter.add.f32 [tilespmem:s21], [sflag:$0x4], $0x80, s23, s24, $0xb8;
	[tilespmem:$0x1C400] =	vst v63  }
0xb3: {  	_ =	swait.ge [sflag:s22], $0x4000  }
0xb4: {  	[sflag:s22] =	ssyncset.done $0x0  }
0xb5: {  	[sflag:s22] =	ssyncadd.s32 $0xFFFFC000  }
0xb6: {  	[spmem:s1] =	stream.indirect.scatter.add.f32 [tilespmem:s28], [sflag:$0x4], $0x80, s25, s24, $0xb8;
	[tilespmem:$0x1C400] =	vst v63  }
0xb7: {  	_ =	swait.ge [sflag:s22], $0x4000  }
0xb8: {  	[sflag:s22] =	ssyncset.done $0x0  }
0xb9: {  	[sflag:s22] =	ssyncadd.s32 $0xFFFFC000  }
0xba: {  	[tilespmem:s21], [sflag:$0x2] =	stream.indirect.gather [hbm4b:s4+s24], $0x80, s29, s24, $0xb8;
	[tilespmem:$0x1C400] =	vst v63  }
0xbb: {  	_ = 	snop  }
0xbc: {  	[tilespmem:s28], [sflag:$0x3] =	stream.indirect.gather [hbm4b:s4+s24], $0x80, s31, s24, $0xb8;
	[tilespmem:$0x1C400] =	vst v63  }
0xbd: {  	s17 =	sadd.s32 $0x40, s15  }
0xbe: {  	[tilespmem:s2], [sflag:$0x1] =	stream.linear.gather [hbm4b:s17+s2], $0x80, $0x38;
	[tilespmem:$0x1C400] =	vst v63  }
0xbf: {  	s17 =	sadd.s32 $0x40, s16  }
0xc0: {  	[tilespmem:s23], [sflag:$0x1] =	stream.linear.gather [hbm4b:s17+s2], $0x80, $0x38;
	[tilespmem:$0x1C400] =	vst v63  }
0xc1: {  	s15 =	sadd.s32 $0x50, s15  }
0xc2: {  	[tilespmem:s24], [sflag:$0x1] =	stream.linear.gather [hbm4b:s15+s2], $0x80, $0x38;
	[tilespmem:$0x1C400] =	vst v63  }
0xc3: {  	s15 =	sadd.s32 $0x50, s16  }
0xc4: {  	[tilespmem:s25], [sflag:$0x1] =	stream.linear.gather [hbm4b:s15+s2], $0x80, $0x38;
	[tilespmem:$0x1C400] =	vst v63  }
0xc5: {  	_ =	swait.ge [sflag:s26], $0x80  }
0xc6: {  	[sflag:s26] =	ssyncset.done $0x0  }
0xc7: {  	[sflag:s26] =	ssyncadd.s32 $0xFFFFFF80  }
0xc8: {  	_ =	swait.ge [sflag:s26], $0x80  }
0xc9: {  	[sflag:s26] =	ssyncset.done $0x0  }
0xca: {  	[sflag:s26] =	ssyncadd.s32 $0xFFFFFF80  }
0xcb: {  	_ =	swait.ge [sflag:s26], $0x80  }
0xcc: {  	[sflag:s26] =	ssyncset.done $0x0  }
0xcd: {  	[sflag:s26] =	ssyncadd.s32 $0xFFFFFF80  }
0xce: {  	_ =	swait.ge [sflag:s26], $0x80  }
0xcf: {  	[sflag:s26] =	ssyncset.done $0x0  }
0xd0: {  	[sflag:s26] =	ssyncadd.s32 $0xFFFFFF80  }
0xd1: {  	_ =	swait.ge [sflag:s3], $0x4000  }
0xd2: {  	[sflag:s3] =	ssyncset.done $0x0  }
0xd3: {  	[sflag:s3] =	ssyncadd.s32 $0xFFFFC000  }
0xd4: {  	_ =	swait.ge [sflag:s5], $0x4000  }
0xd5: {  	[sflag:s5] =	ssyncset.done $0x0  }
0xd6: {  	[sflag:s5] =	ssyncadd.s32 $0xFFFFC000  }
0xd7: {  	[spmem:s1] =	stream.indirect.scatter.add.f32 [tilespmem:s21], [sflag:$0x4], $0x80, s30, s24, $0xb8;
	[tilespmem:$0x1C400] =	vst v63  }
0xd8: {  	_ =	swait.ge [sflag:s22], $0x4000  }
.Ltmp0:
0xd9: {  	[sflag:s22] =	ssyncset.done $0x0;
	(pc) =	sbr.rel @p0 .LBB2_2-.Ltmp0, $4  }
0xda: {  	[sflag:s22] =	ssyncadd.s32 $0xFFFFC000  }
0xdb: {  	[spmem:s1] =	stream.indirect.scatter.add.f32 [tilespmem:s28], [sflag:$0x4], $0x80, s0, s24, $0xb8;
	[tilespmem:$0x1C400] =	vst v63  }
0xdc: {  	_ =	swait.ge [sflag:s22], $0x4000  }
0xdd: {  	[sflag:s22] =	ssyncset.done $0x0  }
0xde: {  	[sflag:s22] =	ssyncadd.s32 $0xFFFFC000  }
0xdf: {  	[bflag:$0x0] =	sbarrier.arrive $0xFFFF  }
0xe0: {  	[tilespmem:s21], [sflag:$0x4] =	stream.linear.gather [spmem:s6], $0x4000, $0x38;
	[tilespmem:$0x1C400] =	vst v63  }
0xe1: {  	_ =	swait.ge [sflag:s22], $0x4000  }
0xe2: {  	[sflag:s22] =	ssyncset.done $0x0  }
0xe3: {  	s14 =	rddreg [dreg:$0x7];
	[sflag:s22] =	ssyncadd.s32 $0xFFFFC000  }
0xe4: {  	[hbm4b:s14+s2] =	stream.linear.scatter [tilespmem:s21], [sflag:$0x4], $0x4000, $0x38;
	[tilespmem:$0x1C400] =	vst v63  }
0xe5: {  	_ =	swait.ge [sflag:s22], $0x4000  }
0xe6: {  	[sflag:s22] =	ssyncset.done $0x0  }
0xe7: {  	[sflag:s22] =	ssyncadd.s32 $0xFFFFC000  }
0xe8: {  	[tilespmem:s21], [sflag:$0x4] =	stream.linear.gather [spmem:s7], $0x4000, $0x38;
	[tilespmem:$0x1C400] =	vst v63  }
0xe9: {  	_ =	swait.ge [sflag:s22], $0x4000  }
0xea: {  	[sflag:s22] =	ssyncset.done $0x0  }
0xeb: {  	s16 =	rddreg [dreg:$0x8];
	[sflag:s22] =	ssyncadd.s32 $0xFFFFC000  }
0xec: {  	[hbm4b:s16+s2] =	stream.linear.scatter [tilespmem:s21], [sflag:$0x4], $0x4000, $0x38;
	[tilespmem:$0x1C400] =	vst v63  }
0xed: {  	_ =	swait.ge [sflag:s22], $0x4000  }
0xee: {  	[sflag:s22] =	ssyncset.done $0x0  }
0xef: {  	[sflag:s22] =	ssyncadd.s32 $0xFFFFC000  }
0xf0: {  	[tilespmem:s21], [sflag:$0x4] =	stream.linear.gather [spmem:s8], $0x4000, $0x38;
	[tilespmem:$0x1C400] =	vst v63  }
0xf1: {  	_ =	swait.ge [sflag:s22], $0x4000  }
0xf2: {  	[sflag:s22] =	ssyncset.done $0x0  }
0xf3: {  	s17 =	rddreg [dreg:$0x9];
	[sflag:s22] =	ssyncadd.s32 $0xFFFFC000  }
0xf4: {  	[hbm4b:s17+s2] =	stream.linear.scatter [tilespmem:s21], [sflag:$0x4], $0x4000, $0x38;
	[tilespmem:$0x1C400] =	vst v63  }
0xf5: {  	_ =	swait.ge [sflag:s22], $0x4000  }
0xf6: {  	[sflag:s22] =	ssyncset.done $0x0  }
0xf7: {  	[sflag:s22] =	ssyncadd.s32 $0xFFFFC000  }
0xf8: {  	[tilespmem:s21], [sflag:$0x4] =	stream.linear.gather [spmem:s9], $0x4000, $0x38;
	[tilespmem:$0x1C400] =	vst v63  }
0xf9: {  	_ =	swait.ge [sflag:s22], $0x4000  }
0xfa: {  	[sflag:s22] =	ssyncset.done $0x0  }
0xfb: {  	[sflag:s22] =	ssyncadd.s32 $0xFFFFC000  }
0xfc: {  	[hbm4b:s18+s2] =	stream.linear.scatter [tilespmem:s21], [sflag:$0x4], $0x4000, $0x38;
	[tilespmem:$0x1C400] =	vst v63  }
0xfd: {  	_ =	swait.ge [sflag:s22], $0x4000  }
0xfe: {  	[sflag:s22] =	ssyncset.done $0x0  }
0xff: {  	[sflag:s22] =	ssyncadd.s32 $0xFFFFC000  }
0x100: {  	[tilespmem:s21], [sflag:$0x4] =	stream.linear.gather [spmem:s10], $0x4000, $0x38;
	[tilespmem:$0x1C400] =	vst v63  }
0x101: {  	s13 =	sadd.s32 $0x1, s13;
	_ =	swait.ge [sflag:s22], $0x4000  }
0x102: {  	p0 =	sne.s32 s13, s20;
	[sflag:s22] =	ssyncset.done $0x0  }
.Ltmp1:
0x103: {  	[sflag:s22] =	ssyncadd.s32 $0xFFFFC000;
	(pc) =	sbr.rel @p0 .LBB2_1-.Ltmp1, $4  }
0x104: {  	[hbm4b:s19+s2] =	stream.linear.scatter [tilespmem:s21], [sflag:$0x4], $0x4000, $0x38;
	[tilespmem:$0x1C400] =	vst v63  }
0x105: {  	_ =	swait.ge [sflag:s22], $0x4000  }
0x106: {  	[sflag:s22] =	ssyncset.done $0x0  }
0x107: {  	[sflag:s22] =	ssyncadd.s32 $0xFFFFC000  }
0x108: {  	_ =	sfence.sel $0x180000  }
0x109: {  	[bflag:$0x0] =	sbarrier.arrive $0xFFFF  }
0x10a: {  	_ =	strace $0x9000004A  }
0x10b: {  	s0 =	stileid.u32;
	[bflag:$0x2] =	sbarrier.arrive $0xFFFF  }
0x10c: {  	p0 =	sne.s32 s0, $0x0;
	s0 =	rddreg [dreg:$0x3]  }
0x10d: {  	s0 =	sadd.s32 @!p0 $0x100000, s0  }
0x10e: {  	[sflag:s0] =	ssyncadd.tile.s32 @!p0 $0x1;
	_ =	shalt  }
.Lfunc_end2:
_tile_overlayer_lowered:
.L_overlay_start_2:
0x10f: {  	(tag) =	ssettag $0x2  }
0x110: {  	s0 =	rddreg [dreg:$0x0];
	s2 =	stileid.u32  }
0x111: {  	s1 =	rddreg [dreg:$0x1];
	p0 =	sne.s32 s2, $0x0  }
0x112: {  	s3 =	rddreg [dreg:$0x2];
	[bflag:$0x3] =	sbarrier.arrive $0xFFFF;
	s2 =	simm.s32 @!p0 $0x1C04  }
0x113: {  	[timem:s3], [sflag:s2] =	dma.local @!p0 [hbm:s0], s1  }
0x114: {  	s0 =	simm.s32 @!p0 $0x4  }
0x115: {  	_ =	swait.ge @!p0 [sflag:s0], s1  }
0x116: {  	s1 =	ssub.s32 @!p0 $0x0, s1;
	[sflag:s0] =	ssyncset.done @!p0 $0x0  }
0x117: {  	[sflag:s0] =	ssyncadd.s32 @!p0 s1  }
0x118: {  	[bflag:$0x3] =	sbarrier.arrive $0xFFFF  }
0x119: {  	_ =	shalt  }

// kernel: kernel.7.cloned.1.call-start
scs
__scs_entry_jumppad:
0x0: {  	(pc) =	sbr.rel $0x88, $3  }
0x1: {  	(tag) =	ssettag $0x0;
	lr =	simm.s32 $0x1  }
0x2: {  	[smem:$0x3F9D] =	sst lr;
	_ =	strace $0xD0000000  }
0x3: {  	_ = 	snop  }
0x4: {  	_ = 	snop  }
0x5: {  	_ = 	snop  }
0x6: {  	_ = 	snop  }
0x7: {  	_ = 	snop  }
__scs_overlays_trampoline_lowered:
0x8: {  	[smem:$0x3FAC] =	sst s0  }
0x9: {  	[smem:$0x3FAD] =	sst s1  }
0xa: {  	[smem:$0x3FAE] =	sst s2  }
0xb: {  	[smem:$0x3FAF] =	sst s3  }
0xc: {  	[smem:$0x3FB0] =	sst s4  }
0xd: {  	[smem:$0x3FB1] =	sst s5  }
0xe: {  	[smem:$0x3FB2] =	sst s6  }
0xf: {  	[smem:$0x3FB3] =	sst s7  }
0x10: {  	[smem:$0x3FB4] =	sst s8  }
0x11: {  	[smem:$0x3FB5] =	sst s9;
	s0 =	simm.s32 @!p0 $0x0  }
0x12: {  	s1 =	sld [smem:$0x3F9B];
	s0 =	simm.s32 @p0 $0x1  }
0x13: {  	[smem:$0x3FB6] =	sst s0;
	s0 =	simm.s32 @!p1 $0x0  }
0x14: {  	s2 =	sld [smem:$0x3F9A];
	s0 =	simm.s32 @p1 $0x1  }
0x15: {  	[smem:$0x3FB7] =	sst s0;
	s0 =	simm.s32 @!p2 $0x0  }
0x16: {  	s3 =	sld [smem:$0x3FDB];
	s0 =	simm.s32 @p2 $0x1  }
0x17: {  	s4 =	simm.s32 $0x1BF5;
	[smem:$0x3FB9] =	sst s0  }
0x18: {  	s0 =	sld [smem:$0x3F9C];
	_ =	swait.ge [sflag:s4], $0x0  }
0x19: {  	s7 =	sld [smem:$0x3F9D]  }
0x1a: {  	s8 =	sadd.s32 $0xFFFFE003, lr  }
0x1b: {  	s9 =	sadd.s32 $0xFFFFFEF7, lr;
	s5 =	simm.s32 $0xFFFFFFFF;
	p2 =	slt.u32 s8, $0xFFFFF086  }
0x1c: {  	p1 =	slt.u32 s9, $0xF7A;
	s5 =	simm.s32 @!p2 $0x0  }
0x1d: {  	s5 =	simm.s32 @p1 $0x1;
	p0 =	seq.s32 s7, s2  }
0x1e: {  	s7 =	smul.u32 @!p0 $0xF7A, s2;
	p2 =	seq.s32 @!p0 s5, $0x0  }
0x1f: {  	s9 =	smul.u32 $0xF7A, s1;
	s8 =	simm.s32 @!p0 $0x1BF5;
	p2 =	por !p2, p0  }
0x20: {  	[sflag:s8] =	ssyncset.s32 @!p0 $0xFFFFF086;
	s6 =	sadd.s32 @!p0 s3, s7;
	s7 =	simm.s32 @!p0 $0x108  }
0x21: {  	s3 =	sadd.s32 s3, s9;
	s6 =	sadd.s32 @!p0 $0x88, s6;
	s7 =	simm.s32 @p2 $0x1082  }
0x22: {  	[simem:s7], [sflag:s8] =	dma.local @!p0 [hbm:s6], $0xF7A  }
0x23: {  	s9 =	sor.u32 $0xD0000000, s2;
	s6 =	simm.s32 $0x108;
	_ =	swait.ge @!p0 [sflag:s8], $0x0  }
0x24: {  	s3 =	sadd.s32 $0x88, s3;
	s6 =	simm.s32 @!p1 $0x1082;
	[sflag:s4] =	ssyncset.s32 $0xFFFFF086  }
0x25: {  	[simem:s6], [sflag:s4] =	dma.local [hbm:s3], $0xF7A  }
0x26: {  	[smem:$0x3F9D] =	sst s1;
	(tag) =	ssettag s2;
	_ =	strace s9  }
0x27: {  	s1 =	sld [smem:$0x3FAD]  }
0x28: {  	s2 =	sld [smem:$0x3FAE]  }
0x29: {  	s4 =	sld [smem:$0x3FB0]  }
0x2a: {  	p0 =	seq.s32 s5, $0x0;
	s5 =	sld [smem:$0x3FB1]  }
0x2b: {  	s6 =	sld [smem:$0x3FB2]  }
0x2c: {  	s7 =	sld [smem:$0x3FB3]  }
0x2d: {  	s3 =	simm.s32 $0x108;
	s8 =	sld [smem:$0x3FB4]  }
0x2e: {  	s3 =	simm.s32 @!p0 $0x1082;
	s9 =	sld [smem:$0x3FB5]  }
0x2f: {  	lr =	sadd.s32 s0, s3;
	s0 =	sld [smem:$0x3FAC]  }
0x30: {  	s3 =	sld [smem:$0x3FAF]  }
0x31: {  	[smem:$0x3FB8] =	sst s10  }
0x32: {  	s10 =	sld [smem:$0x3FB6];
	_ =	sdelay $0x3  }
0x33: {  	p0 =	seq.s32 s10, $0x1;
	s10 =	sld [smem:$0x3FB8];
	_ =	sdelay $0x3  }
0x34: {  	[smem:$0x3FB8] =	sst s10  }
0x35: {  	s10 =	sld [smem:$0x3FB7];
	_ =	sdelay $0x3  }
0x36: {  	p1 =	seq.s32 s10, $0x1;
	s10 =	sld [smem:$0x3FB8];
	_ =	sdelay $0x3  }
0x37: {  	[smem:$0x3FB8] =	sst s10  }
0x38: {  	s10 =	sld [smem:$0x3FB9]  }
0x39: {  	_ = 	snop;
	(pc) =	sbr.ind lr, $3  }
0x3a: {  	_ = 	snop  }
0x3b: {  	_ = 	snop  }
0x3c: {  	p2 =	seq.s32 s10, $0x1;
	s10 =	sld [smem:$0x3FB8]  }
0x3d: {  	_ =	shalt  }
0x3e: {  	_ =	shalt  }
0x3f: {  	_ =	shalt  }
0x40: {  	_ =	shalt  }
0x41: {  	_ =	shalt  }
0x42: {  	_ =	shalt  }
0x43: {  	_ =	shalt  }
0x44: {  	_ =	shalt  }
0x45: {  	_ =	shalt  }
0x46: {  	_ =	shalt  }
0x47: {  	_ =	shalt  }
0x48: {  	_ =	shalt  }
0x49: {  	_ =	shalt  }
0x4a: {  	_ =	shalt  }
0x4b: {  	_ =	shalt  }
0x4c: {  	_ =	shalt  }
0x4d: {  	_ =	shalt  }
0x4e: {  	_ =	shalt  }
0x4f: {  	_ =	shalt  }
0x50: {  	_ =	shalt  }
0x51: {  	_ =	shalt  }
0x52: {  	_ =	shalt  }
0x53: {  	_ =	shalt  }
0x54: {  	_ =	shalt  }
0x55: {  	_ =	shalt  }
0x56: {  	_ =	shalt  }
0x57: {  	_ =	shalt  }
0x58: {  	_ =	shalt  }
0x59: {  	_ =	shalt  }
0x5a: {  	_ =	shalt  }
0x5b: {  	_ =	shalt  }
0x5c: {  	_ =	shalt  }
0x5d: {  	_ =	shalt  }
0x5e: {  	_ =	shalt  }
0x5f: {  	_ =	shalt  }
0x60: {  	_ =	shalt  }
0x61: {  	_ =	shalt  }
0x62: {  	_ =	shalt  }
0x63: {  	_ =	shalt  }
0x64: {  	_ =	shalt  }
0x65: {  	_ =	shalt  }
0x66: {  	_ =	shalt  }
0x67: {  	_ =	shalt  }
0x68: {  	_ =	shalt  }
0x69: {  	_ =	shalt  }
0x6a: {  	_ =	shalt  }
0x6b: {  	_ =	shalt  }
0x6c: {  	_ =	shalt  }
0x6d: {  	_ =	shalt  }
0x6e: {  	_ =	shalt  }
0x6f: {  	_ =	shalt  }
0x70: {  	_ =	shalt  }
0x71: {  	_ =	shalt  }
0x72: {  	_ =	shalt  }
0x73: {  	_ =	shalt  }
0x74: {  	_ =	shalt  }
0x75: {  	_ =	shalt  }
0x76: {  	_ =	shalt  }
0x77: {  	_ =	shalt  }
0x78: {  	_ =	shalt  }
0x79: {  	_ =	shalt  }
0x7a: {  	_ =	shalt  }
0x7b: {  	_ =	shalt  }
0x7c: {  	_ =	shalt  }
0x7d: {  	_ =	shalt  }
0x7e: {  	_ =	shalt  }
0x7f: {  	_ =	shalt  }
0x80: {  	_ =	shalt  }
0x81: {  	_ =	shalt  }
0x82: {  	_ =	shalt  }
0x83: {  	_ =	shalt  }
0x84: {  	_ =	shalt  }
0x85: {  	_ =	shalt  }
0x86: {  	_ =	shalt  }
0x87: {  	_ =	shalt  }
.Lfunc_end0:
.L_simem_size_0:
called_computation_lowered:
.L_overlay_start_0:
0x88: {  	s2 =	sld [smem:$0x3FD9]  }
0x89: {  	s3 =	sld [smem:$0x3FFE];
	_ =	sdelay $0x1  }
0x8a: {  	s1 =	srdreg.scid  }
0x8b: {  	s0 =	sand.u32 $0x1, s1  }
0x8c: {  	s17 =	sshll.u32 s0, $0xA;
	s2 =	sadd.s32 s3, s2  }
0x8d: {  	s2 =	sadd.s32 s2, s17  }
0x8e: {  	[smem:$0x3FC4] =	sst s2  }
0x8f: {  	_ = 	snop  }
0x90: {  	s2 =	sld [smem:$0x3FD0];
	(tm) =	ssettm $0x1  }
0x91: {  	s18 =	sld [smem:$0x3FFB];
	_ =	sdelay $0x3  }
0x92: {  	_ =	strace s18  }
0x93: {  	s3 =	sld [smem:$0x3FFC];
	_ =	sdelay $0x3  }
0x94: {  	_ =	strace s3  }
0x95: {  	s3 =	sld [smem:$0x3FFD];
	_ =	sdelay $0x3  }
0x96: {  	_ =	strace s3  }
0x97: {  	_ =	strace $0x8FFFFFFF  }
0x98: {  	s19 =	sld [smem:$0x3FDB];
	_ =	sdelay $0x1  }
0x99: {  	s4 =	simm.s32 $_scs_section_size  }
0x9a: {  	s5 =	simm.s32 $_size__tile_overlayer_lowered;
	s6 =	simm.s32 $_tile_overlayer_lowered  }
0x9b: {  	s22 =	simm.s32 $0x1BFF;
	s21 =	sshll.u32 s6, $0x1;
	s3 =	sadd.s32 s4, s19  }
0x9c: {  	s7 =	simm.s32 $0x0;
	s20 =	sshll.u32 s5, $0x1;
	s5 =	sadd.s32 s21, s3  }
0x9d: {  	[timem:s7], [sflag:s22] =	dma.local [hbm:s5], s20  }
0x9e: {  	_ =	swait.ge [sflag:s22], s20  }
0x9f: {  	s4 =	ssub.s32 $0x0, s20;
	[sflag:s22] =	ssyncset.done $0x0  }
0xa0: {  	[sflag:s22] =	ssyncadd.s32 s4;
	_ =	sdelay $0x1  }
0xa1: {  	s23 =	simm.s32 $0x1B8B  }
0xa2: {  	_ =	swait.ge [sflag:s23], $0x1  }
0xa3: {  	[sflag:s23] =	ssyncset.done $0x0  }
0xa4: {  	s25 =	simm.s32 $0x1B8E;
	s24 =	sld [smem:$0x3FFE];
	[sflag:s23] =	ssyncadd.s32 $0xFFFFFFFF  }
0xa5: {  	s26 =	simm.s32 $execute0_lowered;
	[smem:$0x3FD2] =	sst s25  }
0xa6: {  	s5 =	sshll.u32 s26, $0x1;
	_ =	strace $0x80000046;
	[dreg:$0x1] =	wrdreg $0xFFFFFFFF  }
0xa7: {  	s28 =	simm.s32 $_size_execute0_lowered;
	s3 =	sadd.s32 s3, s5;
	[dreg:$0x0] =	wrdreg $0x0  }
0xa8: {  	s5 =	sshll.u32 s28, $0x1;
	[dreg:$0x2] =	wrdreg s3  }
0xa9: {  	[dreg:$0x3] =	wrdreg s5  }
0xaa: {  	[dreg:$0x4] =	wrdreg $0xC0  }
0xab: {  	_ =	task [dreg:s7], $0x5FFFF  }
0xac: {  	[dreg:$0x1] =	wrdreg $0xFFFFFFFF  }
0xad: {  	[dreg:$0x0] =	wrdreg $0x60  }
0xae: {  	[dreg:$0x2] =	wrdreg s24  }
0xaf: {  	[dreg:$0x3] =	wrdreg s2  }
0xb0: {  	[dreg:$0x4] =	wrdreg $0x53000  }
0xb1: {  	[dreg:$0x5] =	wrdreg $0x55800  }
0xb2: {  	[dreg:$0x6] =	wrdreg $0x9  }
0xb3: {  	_ =	task.clear_ibuf [dreg:s7], $0x7FFFF;
	_ =	strace $0x90000046  }
0xb4: {  	s29 =	simm.s32 $0x9;
	_ =	strace $0x80000048  }
0xb5: {  	_ =	swait.ge [sflag:s29], $0x1  }
0xb6: {  	[sflag:s29] =	ssyncadd.s32 $0xFFFFFFFF  }
0xb7: {  	_ =	strace $0x90000048  }
0xb8: {  	_ =	sfence  }
0xb9: {  	s30 =	sld [smem:$0x0];
	_ =	sdelay $0x2  }
0xba: {  	s31 =	sshll.u32 s1, $0xD;
	s1 =	sshrl.u32 s1, $0x2  }
0xbb: {  	s3 =	sand.u32 $0x4000, s31;
	s1 =	sadd.s32 s1, s30  }
0xbc: {  	s0 =	sor.u32 s3, s0;
	s1 =	sshll.u32 s1, $0x11  }
0xbd: {  	s0 =	sor.u32 s1, s0  }
0xbe: {  	s0 =	sadd.s32 $0x8F2B, s0  }
0xbf: {  	[sflag:s0] =	ssyncadd.remote.s32 $0x1  }
0xc0: {  	_ =	sfence.sel $0xFFFF  }
0xc1: {  	[dreg:$0x0] =	wrdreg $0xFFFFFFFF;
	(pc) =	sbr.abs _section_cstart, $3  }
0xc2: {  	[dreg:$0x1] =	wrdreg $0xFFFFFFFF  }
0xc3: {  	_ =	task.clear_ibuf [dreg:s7], $0x2FFFF;
	_ =	strace $0x9FFFFFFF  }
0xc4: {  	(tm) =	ssettm $0x7FFFFFFF  }
0xc5: {  	_ =	shalt  }
tec
execute0_lowered:
.L_overlay_start_1:
0x0: {  	(tag) =	ssettag $0x1  }
0x1: {  	s7 =	rddreg [dreg:$0x0]  }
0x2: {  	s10 =	rddreg [dreg:$0x1]  }
0x3: {  	s1 =	srdreg.scid;
	s2 =	rddreg [dreg:$0x2]  }
0x4: {  	s0 =	stileid.u32;
	s3 =	rddreg [dreg:$0x3];
	s4 =	simm.s32 $0x0  }
0x5: {  	s15 =	simm.s32 $0x280;
	s16 =	simm.s32 $0x300;
	s17 =	simm.s32 $0x2B00  }
0x6: {  	s18 =	simm.s32 $0x80;
	s19 =	simm.s32 $0x1;
	s20 =	simm.s32 $0x2  }
0x7: {  	s21 =	simm.s32 $0x0;
	s5 =	sand.u32 $0x1, s1;
	s31 =	sshll.u32 s0, $0x1  }
0x8: {  	s8 =	smul.u32 $0x280, s0;
	[smem:$0x7FF] =	sst s4;
	s1 =	sor.u32 s5, s31  }
0x9: {  	s6 =	smul.u32 $0x5000, s5;
	s12 =	ssub.s32 $0x2, s5;
	s5 =	sadd.s32 $0xBA00, s7  }
0xa: {  	s11 =	smul.u32 $0x500, s1;
	s1 =	rddreg [dreg:$0x4];
	s14 =	sshrl.u32 s12, $0x1  }
0xb: {  	_ =	strace $0x80000047;
	s6 =	sadd.s32 s8, s6;
	s14 =	ssub.s32 s12, s14  }
0xc: {  	s9 =	sadd.s32 s11, s7;
	s13 =	sshrl.u32 s6, $0x3;
	s6 =	sadd.s32 $0xB800, s7  }
0xd: {  	s10 =	sadd.s32 s10, s11;
	s13 =	sadd.s32 s13, s7;
	s7 =	sadd.s32 s8, s2  }
0xe: {  	s8 =	sadd.s32 s8, s3;
	s9 =	sadd.s32 $0x1600, s9;
	s11 =	sadd.s32 $0xBC00, s13  }
0xf: {  	s12 =	sadd.s32 $0xC100, s13;
	s13 =	smax.u32 s14, $0x1;
	s14 =	simm.s32 $0x3  }
.LBB2_1:
0x10: {  	[tilespmem:s4], [sflag:$0x3] =	stream.linear.gather [hbm4b:s6+s4], $0x280, $0x38;
	[tilespmem:$0x5800] =	vst v63  }
0x11: {  	_ =	swait.ge [sflag:s14], $0x280  }
0x12: {  	[sflag:s14] =	ssyncset.done $0x0  }
0x13: {  	[sflag:s14] =	ssyncadd.s32 $0xFFFFFD80  }
0x14: {  	[spmem:s7] =	stream.linear.scatter [tilespmem:s4], [sflag:$0x3], $0x280, $0x38;
	[tilespmem:$0x5800] =	vst v63  }
0x15: {  	_ =	swait.ge [sflag:s14], $0x280  }
0x16: {  	[sflag:s14] =	ssyncset.done $0x0  }
0x17: {  	[sflag:s14] =	ssyncadd.s32 $0xFFFFFD80  }
0x18: {  	[spmem:s8] =	stream.linear.scatter [tilespmem:s4], [sflag:$0x3], $0x280, $0x38;
	[tilespmem:$0x5800] =	vst v63  }
0x19: {  	_ =	swait.ge [sflag:s14], $0x280  }
0x1a: {  	[sflag:s14] =	ssyncset.done $0x0  }
0x1b: {  	[sflag:s14] =	ssyncadd.s32 $0xFFFFFD80  }
0x1c: {  	[tilespmem:s15], [sflag:$0x3] =	stream.linear.gather [hbm4b:s5+s4], $0x80, $0x38;
	[tilespmem:$0x5800] =	vst v63  }
0x1d: {  	_ =	swait.ge [sflag:s14], $0x80  }
0x1e: {  	[sflag:s14] =	ssyncset.done $0x0  }
0x1f: {  	[sflag:s14] =	ssyncadd.s32 $0xFFFFFF80  }
0x20: {  	[tilespmem:s16], [sflag:$0x3] =	stream.linear.gather [hbm4b:s9+s4], $0x2800, $0x38;
	[tilespmem:$0x5800] =	vst v63  }
0x21: {  	_ =	swait.ge [sflag:s14], $0x2800  }
0x22: {  	[sflag:s14] =	ssyncset.done $0x0  }
0x23: {  	[sflag:s14] =	ssyncadd.s32 $0xFFFFD800  }
0x24: {  	[tilespmem:s17], [sflag:$0x3] =	stream.linear.gather [hbm4b:s10+s4], $0x2800, $0x38;
	[tilespmem:$0x5800] =	vst v63  }
0x25: {  	_ =	swait.ge [sflag:s14], $0x2800  }
0x26: {  	[sflag:s14] =	ssyncset.done $0x0  }
0x27: {  	[sflag:s14] =	ssyncadd.s32 $0xFFFFD800  }
0x28: {  	s22 =	simm.s32 $0x300;
	[bflag:$0x0] =	sbarrier.arrive $0xFFFF  }
0x29: {  	[spmem:s2] =	stream.indirect.scatter.add.f32 [tilespmem:s15], [sflag:$0x1], $0x1, s22, s18, $0xb8;
	[tilespmem:$0x5800] =	vst v63  }
0x2a: {  	s31 =	simm.s32 $0x2B00  }
0x2b: {  	[spmem:s3] =	stream.indirect.scatter.add.f32 [tilespmem:s15], [sflag:$0x2], $0x1, s31, s18, $0xb8;
	[tilespmem:$0x5800] =	vst v63  }
0x2c: {  	_ =	swait.ge [sflag:s19], $0x80  }
0x2d: {  	[sflag:s19] =	ssyncset.done $0x0  }
0x2e: {  	[sflag:s19] =	ssyncadd.s32 $0xFFFFFF80  }
0x2f: {  	_ =	swait.ge [sflag:s20], $0x80  }
0x30: {  	s23 =	simm.s32 $0x400;
	s22 =	simm.s32 $0x80;
	[sflag:s20] =	ssyncset.done $0x0  }
.LBB2_2:
0x31: {  	s24 =	sadd.s32 $0x300, s22  }
0x32: {  	[sflag:s20] =	ssyncadd.s32 $0xFFFFFF80;
	s25 =	smov.u32 s23;
	s26 =	sadd.s32 $0x200, s23  }
0x33: {  	[spmem:s2] =	stream.indirect.scatter.add.f32 [tilespmem:s15], [sflag:$0x1], $0x1, s24, s18, $0xb8;
	[tilespmem:$0x5800] =	vst v63  }
0x34: {  	p0 =	sne.s32 s23, $0x9E00;
	s22 =	sadd.s32 $0x2B00, s22  }
0x35: {  	[spmem:s3] =	stream.indirect.scatter.add.f32 [tilespmem:s15], [sflag:$0x2], $0x1, s22, s18, $0xb8;
	[tilespmem:$0x5800] =	vst v63  }
.Ltmp0:
0x36: {  	_ =	swait.ge [sflag:s19], $0x80;
	(pc) =	sbr.rel @p0 .LBB2_2-.Ltmp0, $4  }
0x37: {  	[sflag:s19] =	ssyncset.done $0x0  }
0x38: {  	[sflag:s19] =	ssyncadd.s32 $0xFFFFFF80  }
0x39: {  	_ =	swait.ge [sflag:s20], $0x80  }
0x3a: {  	s23 =	smov.u32 s26;
	s22 =	sshra.s32 s25, $0x2;
	[sflag:s20] =	ssyncset.done $0x0  }
0x3b: {  	s23 =	sadd.s32 $0x300, s22;
	[sflag:s20] =	ssyncadd.s32 $0xFFFFFF80  }
0x3c: {  	[spmem:s2] =	stream.indirect.scatter.add.f32 [tilespmem:s15], [sflag:$0x1], $0x1, s23, s18, $0xb8;
	[tilespmem:$0x5800] =	vst v63  }
0x3d: {  	s31 =	sadd.s32 $0x2B00, s22  }
0x3e: {  	[spmem:s3] =	stream.indirect.scatter.add.f32 [tilespmem:s15], [sflag:$0x2], $0x1, s31, s18, $0xb8;
	[tilespmem:$0x5800] =	vst v63  }
0x3f: {  	_ =	swait.ge [sflag:s19], $0x80  }
0x40: {  	[sflag:s19] =	ssyncset.done $0x0  }
0x41: {  	[sflag:s19] =	ssyncadd.s32 $0xFFFFFF80  }
0x42: {  	_ =	swait.ge [sflag:s20], $0x80  }
0x43: {  	[sflag:s20] =	ssyncset.done $0x0  }
0x44: {  	[sflag:s20] =	ssyncadd.s32 $0xFFFFFF80  }
0x45: {  	[bflag:$0x0] =	sbarrier.arrive $0xFFFF  }
0x46: {  	[tilespmem:s4], [sflag:$0x3] =	stream.linear.gather [spmem:s7], $0x280, $0x38;
	[tilespmem:$0x5800] =	vst v63  }
0x47: {  	_ =	swait.ge [sflag:s14], $0x280  }
0x48: {  	[sflag:s14] =	ssyncset.done $0x0  }
0x49: {  	[sflag:s14] =	ssyncadd.s32 $0xFFFFFD80  }
0x4a: {  	[hbm4b:s11+s4] =	stream.linear.scatter [tilespmem:s4], [sflag:$0x3], $0x280, $0x38;
	[tilespmem:$0x5800] =	vst v63  }
0x4b: {  	_ =	swait.ge [sflag:s14], $0x280  }
0x4c: {  	[sflag:s14] =	ssyncset.done $0x0  }
0x4d: {  	[sflag:s14] =	ssyncadd.s32 $0xFFFFFD80  }
0x4e: {  	[tilespmem:s4], [sflag:$0x3] =	stream.linear.gather [spmem:s8], $0x280, $0x38;
	[tilespmem:$0x5800] =	vst v63  }
0x4f: {  	s21 =	sadd.s32 $0x1, s21;
	_ =	swait.ge [sflag:s14], $0x280  }
0x50: {  	p0 =	sne.s32 s21, s13;
	[sflag:s14] =	ssyncset.done $0x0  }
.Ltmp1:
0x51: {  	[sflag:s14] =	ssyncadd.s32 $0xFFFFFD80;
	(pc) =	sbr.rel @p0 .LBB2_1-.Ltmp1, $4  }
0x52: {  	[hbm4b:s12+s4] =	stream.linear.scatter [tilespmem:s4], [sflag:$0x3], $0x280, $0x38;
	[tilespmem:$0x5800] =	vst v63  }
0x53: {  	_ =	swait.ge [sflag:s14], $0x280  }
0x54: {  	[sflag:s14] =	ssyncset.done $0x0  }
0x55: {  	[sflag:s14] =	ssyncadd.s32 $0xFFFFFD80  }
0x56: {  	_ =	sfence.sel $0x180000  }
0x57: {  	[bflag:$0x0] =	sbarrier.arrive $0xFFFF  }
0x58: {  	p0 =	sne.s32 s0, $0x0;
	_ =	strace $0x90000047  }
0x59: {  	s0 =	sadd.s32 @!p0 $0x100000, s1;
	[bflag:$0x2] =	sbarrier.arrive $0xFFFF  }
0x5a: {  	[sflag:s0] =	ssyncadd.tile.s32 @!p0 $0x1;
	_ =	shalt  }
.Lfunc_end2:
_tile_overlayer_lowered:
.L_overlay_start_2:
0x5b: {  	(tag) =	ssettag $0x2  }
0x5c: {  	s0 =	rddreg [dreg:$0x0];
	s2 =	stileid.u32  }
0x5d: {  	s1 =	rddreg [dreg:$0x1];
	p0 =	sne.s32 s2, $0x0  }
0x5e: {  	s3 =	rddreg [dreg:$0x2];
	[bflag:$0x3] =	sbarrier.arrive $0xFFFF;
	s2 =	simm.s32 @!p0 $0x1C03  }
0x5f: {  	[timem:s3], [sflag:s2] =	dma.local @!p0 [hbm:s0], s1  }
0x60: {  	s0 =	simm.s32 @!p0 $0x3  }
0x61: {  	_ =	swait.ge @!p0 [sflag:s0], s1  }
0x62: {  	s1 =	ssub.s32 @!p0 $0x0, s1;
	[sflag:s0] =	ssyncset.done @!p0 $0x0  }
0x63: {  	[sflag:s0] =	ssyncadd.s32 @!p0 s1  }
0x64: {  	[bflag:$0x3] =	sbarrier.arrive $0xFFFF  }
0x65: {  	_ =	shalt  }

</sc_bundles>
